<compile_context>
chip_gen: v7x
topology: tpu7x:2x2x1
jax: 0.10.2.dev20260603
libtpu: 0.0.44.dev20260713+nightly
codegen_flags: <defaults>
</compile_context>

<pallas_src>
import functools

import jax
import jax.numpy as jnp
from jax import lax
from jax.experimental import pallas as pl
from jax.experimental.pallas import tpu as pltpu
from jax.experimental.pallas import tpu_sc as plsc

L = 16
NC, NS = 2, 16
NW = NC * NS
NBINS = 256
B, C, H, W = 64, 3, 512, 512
PLANE = H * W
ROWS_PER_CHUNK = 64
CHUNK = ROWS_PER_CHUNK * W
CHUNKS_PER_PLANE = H // ROWS_PER_CHUNK
B_PER_W = B // NW
ROWS_PER_W = B_PER_W * C
CHUNKS_PER_ARR = ROWS_PER_W * CHUNKS_PER_PLANE
HIST = L * 2 * C * NBINS
NHIST = 2 * C * NBINS

_mesh = plsc.VectorSubcoreMesh(core_axis_name="c", subcore_axis_name="s")


@functools.partial(
    pl.kernel,
    out_type=jax.ShapeDtypeStruct((NW, NHIST), jnp.float32),
    mesh=_mesh,
    compiler_params=pltpu.CompilerParams(
        needs_layout_passes=False, use_tc_tiling_on_sc=True
    ),
    scratch_types=[
        pltpu.VMEM((HIST,), jnp.float32),
        pltpu.VMEM((NHIST,), jnp.float32),
        pltpu.VMEM((ROWS_PER_CHUNK, W), jnp.float32),
        pltpu.VMEM((ROWS_PER_CHUNK, W), jnp.float32),
        pltpu.SemaphoreType.DMA,
        pltpu.SemaphoreType.DMA,
    ],
)
def _sc_hist(inp_hbm, lab_hbm, out_hbm, hist, hist2, buf0, buf1, sem0, sem1):
    wid = lax.axis_index("s") * NC + lax.axis_index("c")
    zero = jnp.zeros((L,), jnp.float32)

    @plsc.parallel_loop(0, HIST // L, unroll=8)
    def _zero_body(i):
        hist[pl.ds(i * L, L)] = zero

    lane = lax.iota(jnp.int32, L)
    ones = jnp.ones((L,), jnp.float32)
    bufs = (buf0, buf1)
    sems = (sem0, sem1)

    def _src_slice(src, t):
        plane = t // CHUNKS_PER_PLANE
        h0 = lax.rem(t, CHUNKS_PER_PLANE) * ROWS_PER_CHUNK
        b = B_PER_W * wid + plane // C
        chan = lax.rem(plane, C)
        return src.at[b, chan, pl.ds(h0, ROWS_PER_CHUNK), :], chan

    def _consume(buf, base_vec):
        @plsc.parallel_loop(0, CHUNK // L, unroll=16)
        def _vec_body(j):
            x = buf[j // (W // L), pl.ds(lax.rem(j, W // L) * L, L)]
            t = (x * jnp.float32(L)).astype(jnp.int32)
            t = jnp.bitwise_and(t, jnp.int32((NBINS - 1) * L))
            plsc.addupdate_scatter(hist, [jnp.bitwise_or(base_vec, t)], ones)

    for ai, src in enumerate((inp_hbm, lab_hbm)):
        first_slice, _ = _src_slice(src, 0)
        pltpu.async_copy(first_slice, buf0, sem0)

        def _pair_body(k, carry):
            for p in range(2):
                t = 2 * k + p
                nxt = t + 1

                @pl.when(nxt < CHUNKS_PER_ARR)
                def _():
                    nxt_slice, _ = _src_slice(src, nxt)
                    pltpu.async_copy(
                        nxt_slice, bufs[(p + 1) % 2], sems[(p + 1) % 2]
                    )

                cur_slice, chan = _src_slice(src, t)
                pltpu.make_async_copy(cur_slice, bufs[p], sems[p]).wait()
                _consume(bufs[p], lane + (ai * C + chan) * (NBINS * L))
            return carry

        lax.fori_loop(0, CHUNKS_PER_ARR // 2, _pair_body, 0)

    iot = lax.iota(jnp.int32, L)
    diags = [iot * L + jnp.bitwise_and(iot + s, L - 1) for s in range(L)]

    @plsc.parallel_loop(0, NHIST // L)
    def _red_body(g):
        acc = zero
        for s in range(L):
            acc = acc + plsc.load_gather(hist, [g * (L * L) + diags[s]])
        hist2[pl.ds(g * L, L)] = acc

    pltpu.sync_copy(hist2, out_hbm.at[wid])


def _finalize_body(parts_ref, out_ref):
    p = parts_ref[...]
    h = jnp.sum(p, axis=0, keepdims=True)
    total = jnp.float32(0.0)
    for c in range(C):
        h1 = h[:, c * NBINS:(c + 1) * NBINS]
        h2 = h[:, (C + c) * NBINS:(C + c + 1) * NBINS]
        num = jnp.sum(jnp.sqrt(h1 * h2))
        denom = jnp.sqrt(
            jnp.mean(h1) * jnp.mean(h2) * jnp.float32(NBINS * NBINS) + 1e-12
        )
        val = jnp.clip(1.0 - num / denom, 0.0, 1.0)
        total = total + jnp.sqrt(val)
    out_ref[...] = jnp.broadcast_to(total, (1, 1))


_finalize = pl.pallas_call(
    _finalize_body,
    out_shape=jax.ShapeDtypeStruct((1, 1), jnp.float32),
)


@jax.jit
def kernel(input, label):
    parts = _sc_hist(input, label)
    fin = _finalize(parts)
    return fin[0, 0]

# --- scband reference (transcript-rebuilt; emitter-appended) ---
"""Pipeline reference for scband-his-19834158972940 (READ-ONLY COPY).

The authoritative reference and input builder live on the scoring server;
editing this copy changes nothing except your own understanding.
"""

import jax, jax.numpy as jnp
import numpy as np

NUM_BINS = 256

def setup_inputs(seed: int = 0) -> dict:
    key = jax.random.key(seed)
    k1, k2 = jax.random.split(key)
    shape = (64, 3, 512, 512)
    # pixel values uniform in [0, 256), matching cv2.calcHist range [0, 256]
    inp = jax.random.uniform(k1, shape, dtype=jnp.float32, minval=0.0, maxval=256.0)
    lab = jax.random.uniform(k2, shape, dtype=jnp.float32, minval=0.0, maxval=256.0)
    return {"input": inp, "label": lab}

def _channel_hist(x_ch):
    # x_ch: float32[B, H, W] -> 256-bin histogram (summed over the whole batch,
    # equivalent to cv2 per-image histograms summed in the loop)
    idx = jax.lax.stop_gradient(jnp.clip(jnp.floor(x_ch), 0.0, float(NUM_BINS - 1)))
    idx = idx.astype(jnp.int32).reshape(-1)
    return jnp.zeros((NUM_BINS,), dtype=jnp.float32).at[idx].add(1.0)

def _calc_histogram(image):
    # image: float32[B, 3, H, W] -> (hist_r, hist_g, hist_b) each [256]
    return (_channel_hist(image[:, 0]),
            _channel_hist(image[:, 1]),
            _channel_hist(image[:, 2]))

def _bhattacharyya(h1, h2):
    # cv2.HISTCMP_BHATTACHARYYA:
    # d = sqrt(max(0, 1 - sum(sqrt(h1*h2)) / sqrt(mean(h1)*mean(h2)*N^2)))
    n = h1.shape[0]
    num = jnp.sum(jnp.sqrt(h1 * h2))
    denom = jnp.sqrt(jnp.mean(h1) * jnp.mean(h2) * (n * n) + 1e-12)
    val = jnp.clip(1.0 - num / denom, 0.0, 1.0)
    return jnp.sqrt(val)

def reference(input, label):
    or_r, or_g, or_b = _calc_histogram(input)
    pr_r, pr_g, pr_b = _calc_histogram(label)
    loss_r = _bhattacharyya(or_r, pr_r)
    loss_g = _bhattacharyya(or_g, pr_g)
    loss_b = _bhattacharyya(or_b, pr_b)
    return loss_r + loss_g + loss_b

if __name__ == "__main__":
    import jax
    _d = setup_inputs()
    print(jax.jit(kernel)(*tuple(_d.values())))

</pallas_src>

<mosaic_0001>
#map = affine_map<(d0, d1) -> (0, 0, 0, 0)>
#map1 = affine_map<(d0, d1) -> (0, 0)>
module attributes {stable_mosaic.version = 14 : i64} {
  func.func @_sc_hist(%arg0: i32, %arg1: i32, %arg2: memref<64x3x512x512xf32, #tpu.memory_space<hbm>>, %arg3: memref<64x3x512x512xf32, #tpu.memory_space<hbm>>, %arg4: memref<32x1536xf32, #tpu.memory_space<hbm>>, %arg5: memref<24576xf32, #tpu.memory_space<vmem>>, %arg6: memref<1536xf32, #tpu.memory_space<vmem>>, %arg7: memref<64x512xf32, #tpu.memory_space<vmem>>, %arg8: memref<64x512xf32, #tpu.memory_space<vmem>>, %arg9: memref<!tpu.dma_semaphore, #tpu.memory_space<semaphore_mem>>, %arg10: memref<!tpu.dma_semaphore, #tpu.memory_space<semaphore_mem>>) attributes {dimension_semantics = [#tpu.dimension_semantics<core_parallel>, #tpu.dimension_semantics<subcore_parallel>], iteration_bounds = array<i64: 2, 16>, scalar_prefetch = 0 : i64, scratch_operands = 6 : i64, tpu.core_type = #tpu.core_type<sc_vector_subcore>, window_params = [{transform_indices = #map}, {transform_indices = #map}, {transform_indices = #map1}]} {
    %mul3A = arith.constant 2 : i32
    %mul3A_0 = arith.muli %arg1, %mul3A : i32
    %add3A = arith.addi %mul3A_0, %arg0 : i32
    %broadcast_in_dim3A = arith.constant 0.000000e+00 : f32
    %broadcast_in_dim3A_1 = vector.broadcast %broadcast_in_dim3A : f32 to vector<16xf32>
    %parallel_loop3A = arith.constant 0 : i32
    %parallel_loop3A_2 = arith.constant 1536 : i32
    %parallel_loop3A_3 = arith.constant 1 : i32
    scf.for %parallel_loop3A_214 = %parallel_loop3A to %parallel_loop3A_2 step %parallel_loop3A_3  : i32 {
      %parallel_loop3A_215 = arith.constant 16 : i32
      %parallel_loop3A_216 = arith.muli %parallel_loop3A_214, %parallel_loop3A_215 : i32
      %parallel_loop3A_217 = arith.index_cast %parallel_loop3A_216 : i32 to index
      %parallel_loop3A_218 = tpu.vector_load %arg5[%parallel_loop3A_217] {strides = array<i32>} : memref<24576xf32, #tpu.memory_space<vmem>>, vector<16xf32>,
      tpu.vector_store %arg5[%parallel_loop3A_217], %broadcast_in_dim3A_1 {strides = array<i32>} : memref<24576xf32, #tpu.memory_space<vmem>>, vector<16xf32>,
    } {sc.loop_unroll_factor = 8 : i64, sc.parallel_access}
    %iota3A = tpu.iota {dimensions = array<i32: 0>} : vector<16xi32>
    %broadcast_in_dim3A_4 = arith.constant 1.000000e+00 : f32
    %broadcast_in_dim3A_5 = vector.broadcast %broadcast_in_dim3A_4 : f32 to vector<16xf32>
    %rem3A = arith.constant 0 : i32
    %rem3A_6 = arith.constant 8 : i32
    %rem3A_7 = arith.remsi %rem3A, %rem3A_6 : i32
    %mul3A_8 = arith.constant 64 : i32
    %mul3A_9 = arith.muli %rem3A_7, %mul3A_8 : i32
    %mul3A_10 = arith.constant 2 : i32
    %mul3A_11 = arith.muli %mul3A_10, %add3A : i32
    %add3A_12 = arith.constant 0 : i32
    %add3A_13 = arith.addi %mul3A_11, %add3A_12 : i32
    %rem3A_14 = arith.constant 0 : i32
    %rem3A_15 = arith.constant 3 : i32
    %rem3A_16 = arith.remsi %rem3A_14, %rem3A_15 : i32
    %dma_start3A = arith.constant 0 : i32
    %dma_start3A_17 = tpu.memref_slice %arg2[%add3A_13, %rem3A_16, %mul3A_9, %dma_start3A] : memref<64x3x512x512xf32, #tpu.memory_space<hbm>> -> memref<1x1x64x512xf32, #tpu.memory_space<hbm>>
    %dma_start3A_18 = tpu.memref_squeeze %dma_start3A_17 : memref<1x1x64x512xf32, #tpu.memory_space<hbm>> -> memref<64x512xf32, #tpu.memory_space<hbm>>
    %dma_start3A_19 = arith.constant 0 : i32
    %dma_start3A_20 = tpu.memref_slice %arg2[%add3A_13, %rem3A_16, %mul3A_9, %dma_start3A_19] : memref<64x3x512x512xf32, #tpu.memory_space<hbm>> -> memref<1x1x64x512xf32, #tpu.memory_space<hbm>>
    %dma_start3A_21 = tpu.memref_squeeze %dma_start3A_20 : memref<1x1x64x512xf32, #tpu.memory_space<hbm>> -> memref<64x512xf32, #tpu.memory_space<hbm>>
    tpu.enqueue_dma source(%dma_start3A_21 : memref<64x512xf32, #tpu.memory_space<hbm>>) target(%arg7 : memref<64x512xf32, #tpu.memory_space<vmem>>) target_semaphore(%arg9 : memref<!tpu.dma_semaphore, #tpu.memory_space<semaphore_mem>>)
    %scan3A = arith.constant 0 : i32
    %scan3A_22 = arith.constant 0 : i32
    %scan3A_23 = arith.constant 24 : i32
    %scan3A_24 = arith.addi %scan3A_22, %scan3A_23 : i32
    %scan3A_25 = arith.constant 1 : i32
    scf.for %scan3A_214 = %scan3A_22 to %scan3A_24 step %scan3A_25  : i32 {
      %mul3A_215 = arith.constant 2 : i32
      %mul3A_216 = arith.muli %mul3A_215, %scan3A_214 : i32
      %add3A_217 = arith.constant 0 : i32
      %add3A_218 = arith.addi %mul3A_216, %add3A_217 : i32
      %add3A_219 = arith.constant 1 : i32
      %add3A_220 = arith.addi %add3A_218, %add3A_219 : i32
      %lt3A = arith.constant 48 : i32
      %lt3A_221 = arith.cmpi slt, %add3A_220, %lt3A : i32
      %convert_element_type3A = arith.extui %lt3A_221 : i1 to i32
      %cond3A = arith.constant 0 : i32
      %cond3A_222 = arith.cmpi ne, %convert_element_type3A, %cond3A : i32
      scf.if %cond3A_222 {
        %jit3A_371 = arith.constant 8 : i32
        %div3A_372 = arith.divsi %add3A_220, %jit3A_371 : i32
        %sign3A_373 = arith.constant 0 : i32
        %sign3A_374 = arith.cmpi sgt, %add3A_220, %sign3A_373 : i32
        %sign3A_375 = arith.extui %sign3A_374 : i1 to i32
        %sign3A_376 = arith.constant 0 : i32
        %sign3A_377 = arith.cmpi slt, %add3A_220, %sign3A_376 : i32
        %sign3A_378 = arith.extui %sign3A_377 : i1 to i32
        %sign3A_379 = arith.subi %sign3A_375, %sign3A_378 : i32
        %sign3A_380 = arith.constant 0 : i32
        %sign3A_381 = arith.cmpi sgt, %jit3A_371, %sign3A_380 : i32
        %sign3A_382 = arith.extui %sign3A_381 : i1 to i32
        %sign3A_383 = arith.constant 0 : i32
        %sign3A_384 = arith.cmpi slt, %jit3A_371, %sign3A_383 : i32
        %sign3A_385 = arith.extui %sign3A_384 : i1 to i32
        %sign3A_386 = arith.subi %sign3A_382, %sign3A_385 : i32
        %ne3A_387 = arith.cmpi ne, %sign3A_379, %sign3A_386 : i32
        %rem3A_388 = arith.remsi %add3A_220, %jit3A_371 : i32
        %ne3A_389 = arith.constant 0 : i32
        %ne3A_390 = arith.cmpi ne, %rem3A_388, %ne3A_389 : i32
        %and3A_391 = arith.andi %ne3A_387, %ne3A_390 : i1
        %sub3A_392 = arith.constant 1 : i32
        %sub3A_393 = arith.subi %div3A_372, %sub3A_392 : i32
        %select_n3A_394 = arith.select %and3A_391, %sub3A_393, %div3A_372 : i32
        %rem3A_395 = arith.constant 8 : i32
        %rem3A_396 = arith.remsi %add3A_220, %rem3A_395 : i32
        %mul3A_397 = arith.constant 64 : i32
        %mul3A_398 = arith.muli %rem3A_396, %mul3A_397 : i32
        %mul3A_399 = arith.constant 2 : i32
        %mul3A_400 = arith.muli %mul3A_399, %add3A : i32
        %jit3A_401 = arith.constant 3 : i32
        %div3A_402 = arith.divsi %select_n3A_394, %jit3A_401 : i32
        %sign3A_403 = arith.constant 0 : i32
        %sign3A_404 = arith.cmpi sgt, %select_n3A_394, %sign3A_403 : i32
        %sign3A_405 = arith.extui %sign3A_404 : i1 to i32
        %sign3A_406 = arith.constant 0 : i32
        %sign3A_407 = arith.cmpi slt, %select_n3A_394, %sign3A_406 : i32
        %sign3A_408 = arith.extui %sign3A_407 : i1 to i32
        %sign3A_409 = arith.subi %sign3A_405, %sign3A_408 : i32
        %sign3A_410 = arith.constant 0 : i32
        %sign3A_411 = arith.cmpi sgt, %jit3A_401, %sign3A_410 : i32
        %sign3A_412 = arith.extui %sign3A_411 : i1 to i32
        %sign3A_413 = arith.constant 0 : i32
        %sign3A_414 = arith.cmpi slt, %jit3A_401, %sign3A_413 : i32
        %sign3A_415 = arith.extui %sign3A_414 : i1 to i32
        %sign3A_416 = arith.subi %sign3A_412, %sign3A_415 : i32
        %ne3A_417 = arith.cmpi ne, %sign3A_409, %sign3A_416 : i32
        %rem3A_418 = arith.remsi %select_n3A_394, %jit3A_401 : i32
        %ne3A_419 = arith.constant 0 : i32
        %ne3A_420 = arith.cmpi ne, %rem3A_418, %ne3A_419 : i32
        %and3A_421 = arith.andi %ne3A_417, %ne3A_420 : i1
        %sub3A_422 = arith.constant 1 : i32
        %sub3A_423 = arith.subi %div3A_402, %sub3A_422 : i32
        %select_n3A_424 = arith.select %and3A_421, %sub3A_423, %div3A_402 : i32
        %add3A_425 = arith.addi %mul3A_400, %select_n3A_424 : i32
        %rem3A_426 = arith.constant 3 : i32
        %rem3A_427 = arith.remsi %select_n3A_394, %rem3A_426 : i32
        %dma_start3A_428 = arith.constant 0 : i32
        %dma_start3A_429 = tpu.memref_slice %arg2[%add3A_425, %rem3A_427, %mul3A_398, %dma_start3A_428] : memref<64x3x512x512xf32, #tpu.memory_space<hbm>> -> memref<1x1x64x512xf32, #tpu.memory_space<hbm>>
        %dma_start3A_430 = tpu.memref_squeeze %dma_start3A_429 : memref<1x1x64x512xf32, #tpu.memory_space<hbm>> -> memref<64x512xf32, #tpu.memory_space<hbm>>
        %dma_start3A_431 = arith.constant 0 : i32
        %dma_start3A_432 = tpu.memref_slice %arg2[%add3A_425, %rem3A_427, %mul3A_398, %dma_start3A_431] : memref<64x3x512x512xf32, #tpu.memory_space<hbm>> -> memref<1x1x64x512xf32, #tpu.memory_space<hbm>>
        %dma_start3A_433 = tpu.memref_squeeze %dma_start3A_432 : memref<1x1x64x512xf32, #tpu.memory_space<hbm>> -> memref<64x512xf32, #tpu.memory_space<hbm>>
        tpu.enqueue_dma source(%dma_start3A_433 : memref<64x512xf32, #tpu.memory_space<hbm>>) target(%arg8 : memref<64x512xf32, #tpu.memory_space<vmem>>) target_semaphore(%arg10 : memref<!tpu.dma_semaphore, #tpu.memory_space<semaphore_mem>>)
      } else {
      }
      %jit3A = arith.constant 8 : i32
      %div3A = arith.divsi %add3A_218, %jit3A : i32
      %sign3A = arith.constant 0 : i32
      %sign3A_223 = arith.cmpi sgt, %add3A_218, %sign3A : i32
      %sign3A_224 = arith.extui %sign3A_223 : i1 to i32
      %sign3A_225 = arith.constant 0 : i32
      %sign3A_226 = arith.cmpi slt, %add3A_218, %sign3A_225 : i32
      %sign3A_227 = arith.extui %sign3A_226 : i1 to i32
      %sign3A_228 = arith.subi %sign3A_224, %sign3A_227 : i32
      %sign3A_229 = arith.constant 0 : i32
      %sign3A_230 = arith.cmpi sgt, %jit3A, %sign3A_229 : i32
      %sign3A_231 = arith.extui %sign3A_230 : i1 to i32
      %sign3A_232 = arith.constant 0 : i32
      %sign3A_233 = arith.cmpi slt, %jit3A, %sign3A_232 : i32
      %sign3A_234 = arith.extui %sign3A_233 : i1 to i32
      %sign3A_235 = arith.subi %sign3A_231, %sign3A_234 : i32
      %ne3A = arith.cmpi ne, %sign3A_228, %sign3A_235 : i32
      %rem3A_236 = arith.remsi %add3A_218, %jit3A : i32
      %ne3A_237 = arith.constant 0 : i32
      %ne3A_238 = arith.cmpi ne, %rem3A_236, %ne3A_237 : i32
      %and3A_239 = arith.andi %ne3A, %ne3A_238 : i1
      %sub3A = arith.constant 1 : i32
      %sub3A_240 = arith.subi %div3A, %sub3A : i32
      %select_n3A = arith.select %and3A_239, %sub3A_240, %div3A : i32
      %rem3A_241 = arith.constant 8 : i32
      %rem3A_242 = arith.remsi %add3A_218, %rem3A_241 : i32
      %mul3A_243 = arith.constant 64 : i32
      %mul3A_244 = arith.muli %rem3A_242, %mul3A_243 : i32
      %mul3A_245 = arith.constant 2 : i32
      %mul3A_246 = arith.muli %mul3A_245, %add3A : i32
      %jit3A_247 = arith.constant 3 : i32
      %div3A_248 = arith.divsi %select_n3A, %jit3A_247 : i32
      %sign3A_249 = arith.constant 0 : i32
      %sign3A_250 = arith.cmpi sgt, %select_n3A, %sign3A_249 : i32
      %sign3A_251 = arith.extui %sign3A_250 : i1 to i32
      %sign3A_252 = arith.constant 0 : i32
      %sign3A_253 = arith.cmpi slt, %select_n3A, %sign3A_252 : i32
      %sign3A_254 = arith.extui %sign3A_253 : i1 to i32
      %sign3A_255 = arith.subi %sign3A_251, %sign3A_254 : i32
      %sign3A_256 = arith.constant 0 : i32
      %sign3A_257 = arith.cmpi sgt, %jit3A_247, %sign3A_256 : i32
      %sign3A_258 = arith.extui %sign3A_257 : i1 to i32
      %sign3A_259 = arith.constant 0 : i32
      %sign3A_260 = arith.cmpi slt, %jit3A_247, %sign3A_259 : i32
      %sign3A_261 = arith.extui %sign3A_260 : i1 to i32
      %sign3A_262 = arith.subi %sign3A_258, %sign3A_261 : i32
      %ne3A_263 = arith.cmpi ne, %sign3A_255, %sign3A_262 : i32
      %rem3A_264 = arith.remsi %select_n3A, %jit3A_247 : i32
      %ne3A_265 = arith.constant 0 : i32
      %ne3A_266 = arith.cmpi ne, %rem3A_264, %ne3A_265 : i32
      %and3A_267 = arith.andi %ne3A_263, %ne3A_266 : i1
      %sub3A_268 = arith.constant 1 : i32
      %sub3A_269 = arith.subi %div3A_248, %sub3A_268 : i32
      %select_n3A_270 = arith.select %and3A_267, %sub3A_269, %div3A_248 : i32
      %add3A_271 = arith.addi %mul3A_246, %select_n3A_270 : i32
      %rem3A_272 = arith.constant 3 : i32
      %rem3A_273 = arith.remsi %select_n3A, %rem3A_272 : i32
      %dma_wait3A = arith.constant 0 : i32
      %dma_wait3A_274 = tpu.memref_slice %arg2[%add3A_271, %rem3A_273, %mul3A_244, %dma_wait3A] : memref<64x3x512x512xf32, #tpu.memory_space<hbm>> -> memref<1x1x64x512xf32, #tpu.memory_space<hbm>>
      %dma_wait3A_275 = tpu.memref_squeeze %dma_wait3A_274 : memref<1x1x64x512xf32, #tpu.memory_space<hbm>> -> memref<64x512xf32, #tpu.memory_space<hbm>>
      %dma_wait3A_276 = arith.constant 0 : i32
      %dma_wait3A_277 = tpu.memref_slice %arg2[%add3A_271, %rem3A_273, %mul3A_244, %dma_wait3A_276] : memref<64x3x512x512xf32, #tpu.memory_space<hbm>> -> memref<1x1x64x512xf32, #tpu.memory_space<hbm>>
      %dma_wait3A_278 = tpu.memref_squeeze %dma_wait3A_277 : memref<1x1x64x512xf32, #tpu.memory_space<hbm>> -> memref<64x512xf32, #tpu.memory_space<hbm>>
      tpu.wait_dma2 semaphore(%arg9 : memref<!tpu.dma_semaphore, #tpu.memory_space<semaphore_mem>>) src(%dma_wait3A_278 : memref<64x512xf32, #tpu.memory_space<hbm>>) dst(%arg7 : memref<64x512xf32, #tpu.memory_space<vmem>>)
      %add3A_279 = arith.constant 0 : i32
      %add3A_280 = arith.addi %add3A_279, %rem3A_273 : i32
      %mul3A_281 = arith.constant 4096 : i32
      %mul3A_282 = arith.muli %add3A_280, %mul3A_281 : i32
      %add3A_283 = vector.broadcast %mul3A_282 : i32 to vector<16xi32>
      %add3A_284 = arith.addi %iota3A, %add3A_283 : vector<16xi32>
      %parallel_loop3A_285 = arith.constant 0 : i32
      %parallel_loop3A_286 = arith.constant 2048 : i32
      %parallel_loop3A_287 = arith.constant 1 : i32
      scf.for %parallel_loop3A_371 = %parallel_loop3A_285 to %parallel_loop3A_286 step %parallel_loop3A_287  : i32 {
        %parallel_loop3A_372 = arith.constant 32 : i32
        %parallel_loop3A_373 = arith.divsi %parallel_loop3A_371, %parallel_loop3A_372 : i32
        %parallel_loop3A_374 = arith.constant 0 : i32
        %parallel_loop3A_375 = arith.cmpi sgt, %parallel_loop3A_371, %parallel_loop3A_374 : i32
        %parallel_loop3A_376 = arith.extui %parallel_loop3A_375 : i1 to i32
        %parallel_loop3A_377 = arith.constant 0 : i32
        %parallel_loop3A_378 = arith.cmpi slt, %parallel_loop3A_371, %parallel_loop3A_377 : i32
        %parallel_loop3A_379 = arith.extui %parallel_loop3A_378 : i1 to i32
        %parallel_loop3A_380 = arith.subi %parallel_loop3A_376, %parallel_loop3A_379 : i32
        %parallel_loop3A_381 = arith.constant 0 : i32
        %parallel_loop3A_382 = arith.cmpi sgt, %parallel_loop3A_372, %parallel_loop3A_381 : i32
        %parallel_loop3A_383 = arith.extui %parallel_loop3A_382 : i1 to i32
        %parallel_loop3A_384 = arith.constant 0 : i32
        %parallel_loop3A_385 = arith.cmpi slt, %parallel_loop3A_372, %parallel_loop3A_384 : i32
        %parallel_loop3A_386 = arith.extui %parallel_loop3A_385 : i1 to i32
        %parallel_loop3A_387 = arith.subi %parallel_loop3A_383, %parallel_loop3A_386 : i32
        %parallel_loop3A_388 = arith.cmpi ne, %parallel_loop3A_380, %parallel_loop3A_387 : i32
        %parallel_loop3A_389 = arith.remsi %parallel_loop3A_371, %parallel_loop3A_372 : i32
        %parallel_loop3A_390 = arith.constant 0 : i32
        %parallel_loop3A_391 = arith.cmpi ne, %parallel_loop3A_389, %parallel_loop3A_390 : i32
        %parallel_loop3A_392 = arith.andi %parallel_loop3A_388, %parallel_loop3A_391 : i1
        %parallel_loop3A_393 = arith.constant 1 : i32
        %parallel_loop3A_394 = arith.subi %parallel_loop3A_373, %parallel_loop3A_393 : i32
        %parallel_loop3A_395 = arith.select %parallel_loop3A_392, %parallel_loop3A_394, %parallel_loop3A_373 : i32
        %parallel_loop3A_396 = arith.constant 32 : i32
        %parallel_loop3A_397 = arith.remsi %parallel_loop3A_371, %parallel_loop3A_396 : i32
        %parallel_loop3A_398 = arith.constant 16 : i32
        %parallel_loop3A_399 = arith.muli %parallel_loop3A_397, %parallel_loop3A_398 : i32
        %parallel_loop3A_400 = arith.index_cast %parallel_loop3A_395 : i32 to index
        %parallel_loop3A_401 = arith.index_cast %parallel_loop3A_399 : i32 to index
        %parallel_loop3A_402 = tpu.vector_load %arg7[%parallel_loop3A_400, %parallel_loop3A_401] {strides = array<i32>} : memref<64x512xf32, #tpu.memory_space<vmem>>, vector<16xf32>,
        %parallel_loop3A_403 = arith.constant 1.600000e+01 : f32
        %parallel_loop3A_404 = vector.broadcast %parallel_loop3A_403 : f32 to vector<16xf32>
        %parallel_loop3A_405 = arith.mulf %parallel_loop3A_402, %parallel_loop3A_404 : vector<16xf32>
        %parallel_loop3A_406 = arith.fptosi %parallel_loop3A_405 : vector<16xf32> to vector<16xi32>
        %parallel_loop3A_407 = arith.constant 4080 : i32
        %parallel_loop3A_408 = vector.broadcast %parallel_loop3A_407 : i32 to vector<16xi32>
        %parallel_loop3A_409 = arith.andi %parallel_loop3A_406, %parallel_loop3A_408 : vector<16xi32>
        %parallel_loop3A_410 = arith.ori %add3A_284, %parallel_loop3A_409 : vector<16xi32>
        tpu.vector_store_idx %arg5[%parallel_loop3A_410], %broadcast_in_dim3A_5 {add = true} : memref<24576xf32, #tpu.memory_space<vmem>>[vector<16xi32>], vector<16xf32>,
      } {sc.loop_unroll_factor = 16 : i64, sc.parallel_access}
      %mul3A_288 = arith.constant 2 : i32
      %mul3A_289 = arith.muli %mul3A_288, %scan3A_214 : i32
      %add3A_290 = arith.constant 1 : i32
      %add3A_291 = arith.addi %mul3A_289, %add3A_290 : i32
      %add3A_292 = arith.constant 1 : i32
      %add3A_293 = arith.addi %add3A_291, %add3A_292 : i32
      %lt3A_294 = arith.constant 48 : i32
      %lt3A_295 = arith.cmpi slt, %add3A_293, %lt3A_294 : i32
      %convert_element_type3A_296 = arith.extui %lt3A_295 : i1 to i32
      %cond3A_297 = arith.constant 0 : i32
      %cond3A_298 = arith.cmpi ne, %convert_element_type3A_296, %cond3A_297 : i32
      scf.if %cond3A_298 {
        %jit3A_371 = arith.constant 8 : i32
        %div3A_372 = arith.divsi %add3A_293, %jit3A_371 : i32
        %sign3A_373 = arith.constant 0 : i32
        %sign3A_374 = arith.cmpi sgt, %add3A_293, %sign3A_373 : i32
        %sign3A_375 = arith.extui %sign3A_374 : i1 to i32
        %sign3A_376 = arith.constant 0 : i32
        %sign3A_377 = arith.cmpi slt, %add3A_293, %sign3A_376 : i32
        %sign3A_378 = arith.extui %sign3A_377 : i1 to i32
        %sign3A_379 = arith.subi %sign3A_375, %sign3A_378 : i32
        %sign3A_380 = arith.constant 0 : i32
        %sign3A_381 = arith.cmpi sgt, %jit3A_371, %sign3A_380 : i32
        %sign3A_382 = arith.extui %sign3A_381 : i1 to i32
        %sign3A_383 = arith.constant 0 : i32
        %sign3A_384 = arith.cmpi slt, %jit3A_371, %sign3A_383 : i32
        %sign3A_385 = arith.extui %sign3A_384 : i1 to i32
        %sign3A_386 = arith.subi %sign3A_382, %sign3A_385 : i32
        %ne3A_387 = arith.cmpi ne, %sign3A_379, %sign3A_386 : i32
        %rem3A_388 = arith.remsi %add3A_293, %jit3A_371 : i32
        %ne3A_389 = arith.constant 0 : i32
        %ne3A_390 = arith.cmpi ne, %rem3A_388, %ne3A_389 : i32
        %and3A_391 = arith.andi %ne3A_387, %ne3A_390 : i1
        %sub3A_392 = arith.constant 1 : i32
        %sub3A_393 = arith.subi %div3A_372, %sub3A_392 : i32
        %select_n3A_394 = arith.select %and3A_391, %sub3A_393, %div3A_372 : i32
        %rem3A_395 = arith.constant 8 : i32
        %rem3A_396 = arith.remsi %add3A_293, %rem3A_395 : i32
        %mul3A_397 = arith.constant 64 : i32
        %mul3A_398 = arith.muli %rem3A_396, %mul3A_397 : i32
        %mul3A_399 = arith.constant 2 : i32
        %mul3A_400 = arith.muli %mul3A_399, %add3A : i32
        %jit3A_401 = arith.constant 3 : i32
        %div3A_402 = arith.divsi %select_n3A_394, %jit3A_401 : i32
        %sign3A_403 = arith.constant 0 : i32
        %sign3A_404 = arith.cmpi sgt, %select_n3A_394, %sign3A_403 : i32
        %sign3A_405 = arith.extui %sign3A_404 : i1 to i32
        %sign3A_406 = arith.constant 0 : i32
        %sign3A_407 = arith.cmpi slt, %select_n3A_394, %sign3A_406 : i32
        %sign3A_408 = arith.extui %sign3A_407 : i1 to i32
        %sign3A_409 = arith.subi %sign3A_405, %sign3A_408 : i32
        %sign3A_410 = arith.constant 0 : i32
        %sign3A_411 = arith.cmpi sgt, %jit3A_401, %sign3A_410 : i32
        %sign3A_412 = arith.extui %sign3A_411 : i1 to i32
        %sign3A_413 = arith.constant 0 : i32
        %sign3A_414 = arith.cmpi slt, %jit3A_401, %sign3A_413 : i32
        %sign3A_415 = arith.extui %sign3A_414 : i1 to i32
        %sign3A_416 = arith.subi %sign3A_412, %sign3A_415 : i32
        %ne3A_417 = arith.cmpi ne, %sign3A_409, %sign3A_416 : i32
        %rem3A_418 = arith.remsi %select_n3A_394, %jit3A_401 : i32
        %ne3A_419 = arith.constant 0 : i32
        %ne3A_420 = arith.cmpi ne, %rem3A_418, %ne3A_419 : i32
        %and3A_421 = arith.andi %ne3A_417, %ne3A_420 : i1
        %sub3A_422 = arith.constant 1 : i32
        %sub3A_423 = arith.subi %div3A_402, %sub3A_422 : i32
        %select_n3A_424 = arith.select %and3A_421, %sub3A_423, %div3A_402 : i32
        %add3A_425 = arith.addi %mul3A_400, %select_n3A_424 : i32
        %rem3A_426 = arith.constant 3 : i32
        %rem3A_427 = arith.remsi %select_n3A_394, %rem3A_426 : i32
        %dma_start3A_428 = arith.constant 0 : i32
        %dma_start3A_429 = tpu.memref_slice %arg2[%add3A_425, %rem3A_427, %mul3A_398, %dma_start3A_428] : memref<64x3x512x512xf32, #tpu.memory_space<hbm>> -> memref<1x1x64x512xf32, #tpu.memory_space<hbm>>
        %dma_start3A_430 = tpu.memref_squeeze %dma_start3A_429 : memref<1x1x64x512xf32, #tpu.memory_space<hbm>> -> memref<64x512xf32, #tpu.memory_space<hbm>>
        %dma_start3A_431 = arith.constant 0 : i32
        %dma_start3A_432 = tpu.memref_slice %arg2[%add3A_425, %rem3A_427, %mul3A_398, %dma_start3A_431] : memref<64x3x512x512xf32, #tpu.memory_space<hbm>> -> memref<1x1x64x512xf32, #tpu.memory_space<hbm>>
        %dma_start3A_433 = tpu.memref_squeeze %dma_start3A_432 : memref<1x1x64x512xf32, #tpu.memory_space<hbm>> -> memref<64x512xf32, #tpu.memory_space<hbm>>
        tpu.enqueue_dma source(%dma_start3A_433 : memref<64x512xf32, #tpu.memory_space<hbm>>) target(%arg7 : memref<64x512xf32, #tpu.memory_space<vmem>>) target_semaphore(%arg9 : memref<!tpu.dma_semaphore, #tpu.memory_space<semaphore_mem>>)
      } else {
      }
      %jit3A_299 = arith.constant 8 : i32
      %div3A_300 = arith.divsi %add3A_291, %jit3A_299 : i32
      %sign3A_301 = arith.constant 0 : i32
      %sign3A_302 = arith.cmpi sgt, %add3A_291, %sign3A_301 : i32
      %sign3A_303 = arith.extui %sign3A_302 : i1 to i32
      %sign3A_304 = arith.constant 0 : i32
      %sign3A_305 = arith.cmpi slt, %add3A_291, %sign3A_304 : i32
      %sign3A_306 = arith.extui %sign3A_305 : i1 to i32
      %sign3A_307 = arith.subi %sign3A_303, %sign3A_306 : i32
      %sign3A_308 = arith.constant 0 : i32
      %sign3A_309 = arith.cmpi sgt, %jit3A_299, %sign3A_308 : i32
      %sign3A_310 = arith.extui %sign3A_309 : i1 to i32
      %sign3A_311 = arith.constant 0 : i32
      %sign3A_312 = arith.cmpi slt, %jit3A_299, %sign3A_311 : i32
      %sign3A_313 = arith.extui %sign3A_312 : i1 to i32
      %sign3A_314 = arith.subi %sign3A_310, %sign3A_313 : i32
      %ne3A_315 = arith.cmpi ne, %sign3A_307, %sign3A_314 : i32
      %rem3A_316 = arith.remsi %add3A_291, %jit3A_299 : i32
      %ne3A_317 = arith.constant 0 : i32
      %ne3A_318 = arith.cmpi ne, %rem3A_316, %ne3A_317 : i32
      %and3A_319 = arith.andi %ne3A_315, %ne3A_318 : i1
      %sub3A_320 = arith.constant 1 : i32
      %sub3A_321 = arith.subi %div3A_300, %sub3A_320 : i32
      %select_n3A_322 = arith.select %and3A_319, %sub3A_321, %div3A_300 : i32
      %rem3A_323 = arith.constant 8 : i32
      %rem3A_324 = arith.remsi %add3A_291, %rem3A_323 : i32
      %mul3A_325 = arith.constant 64 : i32
      %mul3A_326 = arith.muli %rem3A_324, %mul3A_325 : i32
      %mul3A_327 = arith.constant 2 : i32
      %mul3A_328 = arith.muli %mul3A_327, %add3A : i32
      %jit3A_329 = arith.constant 3 : i32
      %div3A_330 = arith.divsi %select_n3A_322, %jit3A_329 : i32
      %sign3A_331 = arith.constant 0 : i32
      %sign3A_332 = arith.cmpi sgt, %select_n3A_322, %sign3A_331 : i32
      %sign3A_333 = arith.extui %sign3A_332 : i1 to i32
      %sign3A_334 = arith.constant 0 : i32
      %sign3A_335 = arith.cmpi slt, %select_n3A_322, %sign3A_334 : i32
      %sign3A_336 = arith.extui %sign3A_335 : i1 to i32
      %sign3A_337 = arith.subi %sign3A_333, %sign3A_336 : i32
      %sign3A_338 = arith.constant 0 : i32
      %sign3A_339 = arith.cmpi sgt, %jit3A_329, %sign3A_338 : i32
      %sign3A_340 = arith.extui %sign3A_339 : i1 to i32
      %sign3A_341 = arith.constant 0 : i32
      %sign3A_342 = arith.cmpi slt, %jit3A_329, %sign3A_341 : i32
      %sign3A_343 = arith.extui %sign3A_342 : i1 to i32
      %sign3A_344 = arith.subi %sign3A_340, %sign3A_343 : i32
      %ne3A_345 = arith.cmpi ne, %sign3A_337, %sign3A_344 : i32
      %rem3A_346 = arith.remsi %select_n3A_322, %jit3A_329 : i32
      %ne3A_347 = arith.constant 0 : i32
      %ne3A_348 = arith.cmpi ne, %rem3A_346, %ne3A_347 : i32
      %and3A_349 = arith.andi %ne3A_345, %ne3A_348 : i1
      %sub3A_350 = arith.constant 1 : i32
      %sub3A_351 = arith.subi %div3A_330, %sub3A_350 : i32
      %select_n3A_352 = arith.select %and3A_349, %sub3A_351, %div3A_330 : i32
      %add3A_353 = arith.addi %mul3A_328, %select_n3A_352 : i32
      %rem3A_354 = arith.constant 3 : i32
      %rem3A_355 = arith.remsi %select_n3A_322, %rem3A_354 : i32
      %dma_wait3A_356 = arith.constant 0 : i32
      %dma_wait3A_357 = tpu.memref_slice %arg2[%add3A_353, %rem3A_355, %mul3A_326, %dma_wait3A_356] : memref<64x3x512x512xf32, #tpu.memory_space<hbm>> -> memref<1x1x64x512xf32, #tpu.memory_space<hbm>>
      %dma_wait3A_358 = tpu.memref_squeeze %dma_wait3A_357 : memref<1x1x64x512xf32, #tpu.memory_space<hbm>> -> memref<64x512xf32, #tpu.memory_space<hbm>>
      %dma_wait3A_359 = arith.constant 0 : i32
      %dma_wait3A_360 = tpu.memref_slice %arg2[%add3A_353, %rem3A_355, %mul3A_326, %dma_wait3A_359] : memref<64x3x512x512xf32, #tpu.memory_space<hbm>> -> memref<1x1x64x512xf32, #tpu.memory_space<hbm>>
      %dma_wait3A_361 = tpu.memref_squeeze %dma_wait3A_360 : memref<1x1x64x512xf32, #tpu.memory_space<hbm>> -> memref<64x512xf32, #tpu.memory_space<hbm>>
      tpu.wait_dma2 semaphore(%arg10 : memref<!tpu.dma_semaphore, #tpu.memory_space<semaphore_mem>>) src(%dma_wait3A_361 : memref<64x512xf32, #tpu.memory_space<hbm>>) dst(%arg8 : memref<64x512xf32, #tpu.memory_space<vmem>>)
      %add3A_362 = arith.constant 0 : i32
      %add3A_363 = arith.addi %add3A_362, %rem3A_355 : i32
      %mul3A_364 = arith.constant 4096 : i32
      %mul3A_365 = arith.muli %add3A_363, %mul3A_364 : i32
      %add3A_366 = vector.broadcast %mul3A_365 : i32 to vector<16xi32>
      %add3A_367 = arith.addi %iota3A, %add3A_366 : vector<16xi32>
      %parallel_loop3A_368 = arith.constant 0 : i32
      %parallel_loop3A_369 = arith.constant 2048 : i32
      %parallel_loop3A_370 = arith.constant 1 : i32
      scf.for %parallel_loop3A_371 = %parallel_loop3A_368 to %parallel_loop3A_369 step %parallel_loop3A_370  : i32 {
        %parallel_loop3A_372 = arith.constant 32 : i32
        %parallel_loop3A_373 = arith.divsi %parallel_loop3A_371, %parallel_loop3A_372 : i32
        %parallel_loop3A_374 = arith.constant 0 : i32
        %parallel_loop3A_375 = arith.cmpi sgt, %parallel_loop3A_371, %parallel_loop3A_374 : i32
        %parallel_loop3A_376 = arith.extui %parallel_loop3A_375 : i1 to i32
        %parallel_loop3A_377 = arith.constant 0 : i32
        %parallel_loop3A_378 = arith.cmpi slt, %parallel_loop3A_371, %parallel_loop3A_377 : i32
        %parallel_loop3A_379 = arith.extui %parallel_loop3A_378 : i1 to i32
        %parallel_loop3A_380 = arith.subi %parallel_loop3A_376, %parallel_loop3A_379 : i32
        %parallel_loop3A_381 = arith.constant 0 : i32
        %parallel_loop3A_382 = arith.cmpi sgt, %parallel_loop3A_372, %parallel_loop3A_381 : i32
        %parallel_loop3A_383 = arith.extui %parallel_loop3A_382 : i1 to i32
        %parallel_loop3A_384 = arith.constant 0 : i32
        %parallel_loop3A_385 = arith.cmpi slt, %parallel_loop3A_372, %parallel_loop3A_384 : i32
        %parallel_loop3A_386 = arith.extui %parallel_loop3A_385 : i1 to i32
        %parallel_loop3A_387 = arith.subi %parallel_loop3A_383, %parallel_loop3A_386 : i32
        %parallel_loop3A_388 = arith.cmpi ne, %parallel_loop3A_380, %parallel_loop3A_387 : i32
        %parallel_loop3A_389 = arith.remsi %parallel_loop3A_371, %parallel_loop3A_372 : i32
        %parallel_loop3A_390 = arith.constant 0 : i32
        %parallel_loop3A_391 = arith.cmpi ne, %parallel_loop3A_389, %parallel_loop3A_390 : i32
        %parallel_loop3A_392 = arith.andi %parallel_loop3A_388, %parallel_loop3A_391 : i1
        %parallel_loop3A_393 = arith.constant 1 : i32
        %parallel_loop3A_394 = arith.subi %parallel_loop3A_373, %parallel_loop3A_393 : i32
        %parallel_loop3A_395 = arith.select %parallel_loop3A_392, %parallel_loop3A_394, %parallel_loop3A_373 : i32
        %parallel_loop3A_396 = arith.constant 32 : i32
        %parallel_loop3A_397 = arith.remsi %parallel_loop3A_371, %parallel_loop3A_396 : i32
        %parallel_loop3A_398 = arith.constant 16 : i32
        %parallel_loop3A_399 = arith.muli %parallel_loop3A_397, %parallel_loop3A_398 : i32
        %parallel_loop3A_400 = arith.index_cast %parallel_loop3A_395 : i32 to index
        %parallel_loop3A_401 = arith.index_cast %parallel_loop3A_399 : i32 to index
        %parallel_loop3A_402 = tpu.vector_load %arg8[%parallel_loop3A_400, %parallel_loop3A_401] {strides = array<i32>} : memref<64x512xf32, #tpu.memory_space<vmem>>, vector<16xf32>,
        %parallel_loop3A_403 = arith.constant 1.600000e+01 : f32
        %parallel_loop3A_404 = vector.broadcast %parallel_loop3A_403 : f32 to vector<16xf32>
        %parallel_loop3A_405 = arith.mulf %parallel_loop3A_402, %parallel_loop3A_404 : vector<16xf32>
        %parallel_loop3A_406 = arith.fptosi %parallel_loop3A_405 : vector<16xf32> to vector<16xi32>
        %parallel_loop3A_407 = arith.constant 4080 : i32
        %parallel_loop3A_408 = vector.broadcast %parallel_loop3A_407 : i32 to vector<16xi32>
        %parallel_loop3A_409 = arith.andi %parallel_loop3A_406, %parallel_loop3A_408 : vector<16xi32>
        %parallel_loop3A_410 = arith.ori %add3A_367, %parallel_loop3A_409 : vector<16xi32>
        tpu.vector_store_idx %arg5[%parallel_loop3A_410], %broadcast_in_dim3A_5 {add = true} : memref<24576xf32, #tpu.memory_space<vmem>>[vector<16xi32>], vector<16xf32>,
      } {sc.loop_unroll_factor = 16 : i64, sc.parallel_access}
    }
    %scan3A_26 = arith.constant 24 : i32
    %rem3A_27 = arith.constant 0 : i32
    %rem3A_28 = arith.constant 8 : i32
    %rem3A_29 = arith.remsi %rem3A_27, %rem3A_28 : i32
    %mul3A_30 = arith.constant 64 : i32
    %mul3A_31 = arith.muli %rem3A_29, %mul3A_30 : i32
    %mul3A_32 = arith.constant 2 : i32
    %mul3A_33 = arith.muli %mul3A_32, %add3A : i32
    %add3A_34 = arith.constant 0 : i32
    %add3A_35 = arith.addi %mul3A_33, %add3A_34 : i32
    %rem3A_36 = arith.constant 0 : i32
    %rem3A_37 = arith.constant 3 : i32
    %rem3A_38 = arith.remsi %rem3A_36, %rem3A_37 : i32
    %dma_start3A_39 = arith.constant 0 : i32
    %dma_start3A_40 = tpu.memref_slice %arg3[%add3A_35, %rem3A_38, %mul3A_31, %dma_start3A_39] : memref<64x3x512x512xf32, #tpu.memory_space<hbm>> -> memref<1x1x64x512xf32, #tpu.memory_space<hbm>>
    %dma_start3A_41 = tpu.memref_squeeze %dma_start3A_40 : memref<1x1x64x512xf32, #tpu.memory_space<hbm>> -> memref<64x512xf32, #tpu.memory_space<hbm>>
    %dma_start3A_42 = arith.constant 0 : i32
    %dma_start3A_43 = tpu.memref_slice %arg3[%add3A_35, %rem3A_38, %mul3A_31, %dma_start3A_42] : memref<64x3x512x512xf32, #tpu.memory_space<hbm>> -> memref<1x1x64x512xf32, #tpu.memory_space<hbm>>
    %dma_start3A_44 = tpu.memref_squeeze %dma_start3A_43 : memref<1x1x64x512xf32, #tpu.memory_space<hbm>> -> memref<64x512xf32, #tpu.memory_space<hbm>>
    tpu.enqueue_dma source(%dma_start3A_44 : memref<64x512xf32, #tpu.memory_space<hbm>>) target(%arg7 : memref<64x512xf32, #tpu.memory_space<vmem>>) target_semaphore(%arg9 : memref<!tpu.dma_semaphore, #tpu.memory_space<semaphore_mem>>)
    %scan3A_45 = arith.constant 0 : i32
    %scan3A_46 = arith.constant 0 : i32
    %scan3A_47 = arith.constant 24 : i32
    %scan3A_48 = arith.addi %scan3A_46, %scan3A_47 : i32
    %scan3A_49 = arith.constant 1 : i32
    scf.for %scan3A_214 = %scan3A_46 to %scan3A_48 step %scan3A_49  : i32 {
      %mul3A_215 = arith.constant 2 : i32
      %mul3A_216 = arith.muli %mul3A_215, %scan3A_214 : i32
      %add3A_217 = arith.constant 0 : i32
      %add3A_218 = arith.addi %mul3A_216, %add3A_217 : i32
      %add3A_219 = arith.constant 1 : i32
      %add3A_220 = arith.addi %add3A_218, %add3A_219 : i32
      %lt3A = arith.constant 48 : i32
      %lt3A_221 = arith.cmpi slt, %add3A_220, %lt3A : i32
      %convert_element_type3A = arith.extui %lt3A_221 : i1 to i32
      %cond3A = arith.constant 0 : i32
      %cond3A_222 = arith.cmpi ne, %convert_element_type3A, %cond3A : i32
      scf.if %cond3A_222 {
        %jit3A_371 = arith.constant 8 : i32
        %div3A_372 = arith.divsi %add3A_220, %jit3A_371 : i32
        %sign3A_373 = arith.constant 0 : i32
        %sign3A_374 = arith.cmpi sgt, %add3A_220, %sign3A_373 : i32
        %sign3A_375 = arith.extui %sign3A_374 : i1 to i32
        %sign3A_376 = arith.constant 0 : i32
        %sign3A_377 = arith.cmpi slt, %add3A_220, %sign3A_376 : i32
        %sign3A_378 = arith.extui %sign3A_377 : i1 to i32
        %sign3A_379 = arith.subi %sign3A_375, %sign3A_378 : i32
        %sign3A_380 = arith.constant 0 : i32
        %sign3A_381 = arith.cmpi sgt, %jit3A_371, %sign3A_380 : i32
        %sign3A_382 = arith.extui %sign3A_381 : i1 to i32
        %sign3A_383 = arith.constant 0 : i32
        %sign3A_384 = arith.cmpi slt, %jit3A_371, %sign3A_383 : i32
        %sign3A_385 = arith.extui %sign3A_384 : i1 to i32
        %sign3A_386 = arith.subi %sign3A_382, %sign3A_385 : i32
        %ne3A_387 = arith.cmpi ne, %sign3A_379, %sign3A_386 : i32
        %rem3A_388 = arith.remsi %add3A_220, %jit3A_371 : i32
        %ne3A_389 = arith.constant 0 : i32
        %ne3A_390 = arith.cmpi ne, %rem3A_388, %ne3A_389 : i32
        %and3A_391 = arith.andi %ne3A_387, %ne3A_390 : i1
        %sub3A_392 = arith.constant 1 : i32
        %sub3A_393 = arith.subi %div3A_372, %sub3A_392 : i32
        %select_n3A_394 = arith.select %and3A_391, %sub3A_393, %div3A_372 : i32
        %rem3A_395 = arith.constant 8 : i32
        %rem3A_396 = arith.remsi %add3A_220, %rem3A_395 : i32
        %mul3A_397 = arith.constant 64 : i32
        %mul3A_398 = arith.muli %rem3A_396, %mul3A_397 : i32
        %mul3A_399 = arith.constant 2 : i32
        %mul3A_400 = arith.muli %mul3A_399, %add3A : i32
        %jit3A_401 = arith.constant 3 : i32
        %div3A_402 = arith.divsi %select_n3A_394, %jit3A_401 : i32
        %sign3A_403 = arith.constant 0 : i32
        %sign3A_404 = arith.cmpi sgt, %select_n3A_394, %sign3A_403 : i32
        %sign3A_405 = arith.extui %sign3A_404 : i1 to i32
        %sign3A_406 = arith.constant 0 : i32
        %sign3A_407 = arith.cmpi slt, %select_n3A_394, %sign3A_406 : i32
        %sign3A_408 = arith.extui %sign3A_407 : i1 to i32
        %sign3A_409 = arith.subi %sign3A_405, %sign3A_408 : i32
        %sign3A_410 = arith.constant 0 : i32
        %sign3A_411 = arith.cmpi sgt, %jit3A_401, %sign3A_410 : i32
        %sign3A_412 = arith.extui %sign3A_411 : i1 to i32
        %sign3A_413 = arith.constant 0 : i32
        %sign3A_414 = arith.cmpi slt, %jit3A_401, %sign3A_413 : i32
        %sign3A_415 = arith.extui %sign3A_414 : i1 to i32
        %sign3A_416 = arith.subi %sign3A_412, %sign3A_415 : i32
        %ne3A_417 = arith.cmpi ne, %sign3A_409, %sign3A_416 : i32
        %rem3A_418 = arith.remsi %select_n3A_394, %jit3A_401 : i32
        %ne3A_419 = arith.constant 0 : i32
        %ne3A_420 = arith.cmpi ne, %rem3A_418, %ne3A_419 : i32
        %and3A_421 = arith.andi %ne3A_417, %ne3A_420 : i1
        %sub3A_422 = arith.constant 1 : i32
        %sub3A_423 = arith.subi %div3A_402, %sub3A_422 : i32
        %select_n3A_424 = arith.select %and3A_421, %sub3A_423, %div3A_402 : i32
        %add3A_425 = arith.addi %mul3A_400, %select_n3A_424 : i32
        %rem3A_426 = arith.constant 3 : i32
        %rem3A_427 = arith.remsi %select_n3A_394, %rem3A_426 : i32
        %dma_start3A_428 = arith.constant 0 : i32
        %dma_start3A_429 = tpu.memref_slice %arg3[%add3A_425, %rem3A_427, %mul3A_398, %dma_start3A_428] : memref<64x3x512x512xf32, #tpu.memory_space<hbm>> -> memref<1x1x64x512xf32, #tpu.memory_space<hbm>>
        %dma_start3A_430 = tpu.memref_squeeze %dma_start3A_429 : memref<1x1x64x512xf32, #tpu.memory_space<hbm>> -> memref<64x512xf32, #tpu.memory_space<hbm>>
        %dma_start3A_431 = arith.constant 0 : i32
        %dma_start3A_432 = tpu.memref_slice %arg3[%add3A_425, %rem3A_427, %mul3A_398, %dma_start3A_431] : memref<64x3x512x512xf32, #tpu.memory_space<hbm>> -> memref<1x1x64x512xf32, #tpu.memory_space<hbm>>
        %dma_start3A_433 = tpu.memref_squeeze %dma_start3A_432 : memref<1x1x64x512xf32, #tpu.memory_space<hbm>> -> memref<64x512xf32, #tpu.memory_space<hbm>>
        tpu.enqueue_dma source(%dma_start3A_433 : memref<64x512xf32, #tpu.memory_space<hbm>>) target(%arg8 : memref<64x512xf32, #tpu.memory_space<vmem>>) target_semaphore(%arg10 : memref<!tpu.dma_semaphore, #tpu.memory_space<semaphore_mem>>)
      } else {
      }
      %jit3A = arith.constant 8 : i32
      %div3A = arith.divsi %add3A_218, %jit3A : i32
      %sign3A = arith.constant 0 : i32
      %sign3A_223 = arith.cmpi sgt, %add3A_218, %sign3A : i32
      %sign3A_224 = arith.extui %sign3A_223 : i1 to i32
      %sign3A_225 = arith.constant 0 : i32
      %sign3A_226 = arith.cmpi slt, %add3A_218, %sign3A_225 : i32
      %sign3A_227 = arith.extui %sign3A_226 : i1 to i32
      %sign3A_228 = arith.subi %sign3A_224, %sign3A_227 : i32
      %sign3A_229 = arith.constant 0 : i32
      %sign3A_230 = arith.cmpi sgt, %jit3A, %sign3A_229 : i32
      %sign3A_231 = arith.extui %sign3A_230 : i1 to i32
      %sign3A_232 = arith.constant 0 : i32
      %sign3A_233 = arith.cmpi slt, %jit3A, %sign3A_232 : i32
      %sign3A_234 = arith.extui %sign3A_233 : i1 to i32
      %sign3A_235 = arith.subi %sign3A_231, %sign3A_234 : i32
      %ne3A = arith.cmpi ne, %sign3A_228, %sign3A_235 : i32
      %rem3A_236 = arith.remsi %add3A_218, %jit3A : i32
      %ne3A_237 = arith.constant 0 : i32
      %ne3A_238 = arith.cmpi ne, %rem3A_236, %ne3A_237 : i32
      %and3A_239 = arith.andi %ne3A, %ne3A_238 : i1
      %sub3A = arith.constant 1 : i32
      %sub3A_240 = arith.subi %div3A, %sub3A : i32
      %select_n3A = arith.select %and3A_239, %sub3A_240, %div3A : i32
      %rem3A_241 = arith.constant 8 : i32
      %rem3A_242 = arith.remsi %add3A_218, %rem3A_241 : i32
      %mul3A_243 = arith.constant 64 : i32
      %mul3A_244 = arith.muli %rem3A_242, %mul3A_243 : i32
      %mul3A_245 = arith.constant 2 : i32
      %mul3A_246 = arith.muli %mul3A_245, %add3A : i32
      %jit3A_247 = arith.constant 3 : i32
      %div3A_248 = arith.divsi %select_n3A, %jit3A_247 : i32
      %sign3A_249 = arith.constant 0 : i32
      %sign3A_250 = arith.cmpi sgt, %select_n3A, %sign3A_249 : i32
      %sign3A_251 = arith.extui %sign3A_250 : i1 to i32
      %sign3A_252 = arith.constant 0 : i32
      %sign3A_253 = arith.cmpi slt, %select_n3A, %sign3A_252 : i32
      %sign3A_254 = arith.extui %sign3A_253 : i1 to i32
      %sign3A_255 = arith.subi %sign3A_251, %sign3A_254 : i32
      %sign3A_256 = arith.constant 0 : i32
      %sign3A_257 = arith.cmpi sgt, %jit3A_247, %sign3A_256 : i32
      %sign3A_258 = arith.extui %sign3A_257 : i1 to i32
      %sign3A_259 = arith.constant 0 : i32
      %sign3A_260 = arith.cmpi slt, %jit3A_247, %sign3A_259 : i32
      %sign3A_261 = arith.extui %sign3A_260 : i1 to i32
      %sign3A_262 = arith.subi %sign3A_258, %sign3A_261 : i32
      %ne3A_263 = arith.cmpi ne, %sign3A_255, %sign3A_262 : i32
      %rem3A_264 = arith.remsi %select_n3A, %jit3A_247 : i32
      %ne3A_265 = arith.constant 0 : i32
      %ne3A_266 = arith.cmpi ne, %rem3A_264, %ne3A_265 : i32
      %and3A_267 = arith.andi %ne3A_263, %ne3A_266 : i1
      %sub3A_268 = arith.constant 1 : i32
      %sub3A_269 = arith.subi %div3A_248, %sub3A_268 : i32
      %select_n3A_270 = arith.select %and3A_267, %sub3A_269, %div3A_248 : i32
      %add3A_271 = arith.addi %mul3A_246, %select_n3A_270 : i32
      %rem3A_272 = arith.constant 3 : i32
      %rem3A_273 = arith.remsi %select_n3A, %rem3A_272 : i32
      %dma_wait3A = arith.constant 0 : i32
      %dma_wait3A_274 = tpu.memref_slice %arg3[%add3A_271, %rem3A_273, %mul3A_244, %dma_wait3A] : memref<64x3x512x512xf32, #tpu.memory_space<hbm>> -> memref<1x1x64x512xf32, #tpu.memory_space<hbm>>
      %dma_wait3A_275 = tpu.memref_squeeze %dma_wait3A_274 : memref<1x1x64x512xf32, #tpu.memory_space<hbm>> -> memref<64x512xf32, #tpu.memory_space<hbm>>
      %dma_wait3A_276 = arith.constant 0 : i32
      %dma_wait3A_277 = tpu.memref_slice %arg3[%add3A_271, %rem3A_273, %mul3A_244, %dma_wait3A_276] : memref<64x3x512x512xf32, #tpu.memory_space<hbm>> -> memref<1x1x64x512xf32, #tpu.memory_space<hbm>>
      %dma_wait3A_278 = tpu.memref_squeeze %dma_wait3A_277 : memref<1x1x64x512xf32, #tpu.memory_space<hbm>> -> memref<64x512xf32, #tpu.memory_space<hbm>>
      tpu.wait_dma2 semaphore(%arg9 : memref<!tpu.dma_semaphore, #tpu.memory_space<semaphore_mem>>) src(%dma_wait3A_278 : memref<64x512xf32, #tpu.memory_space<hbm>>) dst(%arg7 : memref<64x512xf32, #tpu.memory_space<vmem>>)
      %add3A_279 = arith.constant 3 : i32
      %add3A_280 = arith.addi %add3A_279, %rem3A_273 : i32
      %mul3A_281 = arith.constant 4096 : i32
      %mul3A_282 = arith.muli %add3A_280, %mul3A_281 : i32
      %add3A_283 = vector.broadcast %mul3A_282 : i32 to vector<16xi32>
      %add3A_284 = arith.addi %iota3A, %add3A_283 : vector<16xi32>
      %parallel_loop3A_285 = arith.constant 0 : i32
      %parallel_loop3A_286 = arith.constant 2048 : i32
      %parallel_loop3A_287 = arith.constant 1 : i32
      scf.for %parallel_loop3A_371 = %parallel_loop3A_285 to %parallel_loop3A_286 step %parallel_loop3A_287  : i32 {
        %parallel_loop3A_372 = arith.constant 32 : i32
        %parallel_loop3A_373 = arith.divsi %parallel_loop3A_371, %parallel_loop3A_372 : i32
        %parallel_loop3A_374 = arith.constant 0 : i32
        %parallel_loop3A_375 = arith.cmpi sgt, %parallel_loop3A_371, %parallel_loop3A_374 : i32
        %parallel_loop3A_376 = arith.extui %parallel_loop3A_375 : i1 to i32
        %parallel_loop3A_377 = arith.constant 0 : i32
        %parallel_loop3A_378 = arith.cmpi slt, %parallel_loop3A_371, %parallel_loop3A_377 : i32
        %parallel_loop3A_379 = arith.extui %parallel_loop3A_378 : i1 to i32
        %parallel_loop3A_380 = arith.subi %parallel_loop3A_376, %parallel_loop3A_379 : i32
        %parallel_loop3A_381 = arith.constant 0 : i32
        %parallel_loop3A_382 = arith.cmpi sgt, %parallel_loop3A_372, %parallel_loop3A_381 : i32
        %parallel_loop3A_383 = arith.extui %parallel_loop3A_382 : i1 to i32
        %parallel_loop3A_384 = arith.constant 0 : i32
        %parallel_loop3A_385 = arith.cmpi slt, %parallel_loop3A_372, %parallel_loop3A_384 : i32
        %parallel_loop3A_386 = arith.extui %parallel_loop3A_385 : i1 to i32
        %parallel_loop3A_387 = arith.subi %parallel_loop3A_383, %parallel_loop3A_386 : i32
        %parallel_loop3A_388 = arith.cmpi ne, %parallel_loop3A_380, %parallel_loop3A_387 : i32
        %parallel_loop3A_389 = arith.remsi %parallel_loop3A_371, %parallel_loop3A_372 : i32
        %parallel_loop3A_390 = arith.constant 0 : i32
        %parallel_loop3A_391 = arith.cmpi ne, %parallel_loop3A_389, %parallel_loop3A_390 : i32
        %parallel_loop3A_392 = arith.andi %parallel_loop3A_388, %parallel_loop3A_391 : i1
        %parallel_loop3A_393 = arith.constant 1 : i32
        %parallel_loop3A_394 = arith.subi %parallel_loop3A_373, %parallel_loop3A_393 : i32
        %parallel_loop3A_395 = arith.select %parallel_loop3A_392, %parallel_loop3A_394, %parallel_loop3A_373 : i32
        %parallel_loop3A_396 = arith.constant 32 : i32
        %parallel_loop3A_397 = arith.remsi %parallel_loop3A_371, %parallel_loop3A_396 : i32
        %parallel_loop3A_398 = arith.constant 16 : i32
        %parallel_loop3A_399 = arith.muli %parallel_loop3A_397, %parallel_loop3A_398 : i32
        %parallel_loop3A_400 = arith.index_cast %parallel_loop3A_395 : i32 to index
        %parallel_loop3A_401 = arith.index_cast %parallel_loop3A_399 : i32 to index
        %parallel_loop3A_402 = tpu.vector_load %arg7[%parallel_loop3A_400, %parallel_loop3A_401] {strides = array<i32>} : memref<64x512xf32, #tpu.memory_space<vmem>>, vector<16xf32>,
        %parallel_loop3A_403 = arith.constant 1.600000e+01 : f32
        %parallel_loop3A_404 = vector.broadcast %parallel_loop3A_403 : f32 to vector<16xf32>
        %parallel_loop3A_405 = arith.mulf %parallel_loop3A_402, %parallel_loop3A_404 : vector<16xf32>
        %parallel_loop3A_406 = arith.fptosi %parallel_loop3A_405 : vector<16xf32> to vector<16xi32>
        %parallel_loop3A_407 = arith.constant 4080 : i32
        %parallel_loop3A_408 = vector.broadcast %parallel_loop3A_407 : i32 to vector<16xi32>
        %parallel_loop3A_409 = arith.andi %parallel_loop3A_406, %parallel_loop3A_408 : vector<16xi32>
        %parallel_loop3A_410 = arith.ori %add3A_284, %parallel_loop3A_409 : vector<16xi32>
        tpu.vector_store_idx %arg5[%parallel_loop3A_410], %broadcast_in_dim3A_5 {add = true} : memref<24576xf32, #tpu.memory_space<vmem>>[vector<16xi32>], vector<16xf32>,
      } {sc.loop_unroll_factor = 16 : i64, sc.parallel_access}
      %mul3A_288 = arith.constant 2 : i32
      %mul3A_289 = arith.muli %mul3A_288, %scan3A_214 : i32
      %add3A_290 = arith.constant 1 : i32
      %add3A_291 = arith.addi %mul3A_289, %add3A_290 : i32
      %add3A_292 = arith.constant 1 : i32
      %add3A_293 = arith.addi %add3A_291, %add3A_292 : i32
      %lt3A_294 = arith.constant 48 : i32
      %lt3A_295 = arith.cmpi slt, %add3A_293, %lt3A_294 : i32
      %convert_element_type3A_296 = arith.extui %lt3A_295 : i1 to i32
      %cond3A_297 = arith.constant 0 : i32
      %cond3A_298 = arith.cmpi ne, %convert_element_type3A_296, %cond3A_297 : i32
      scf.if %cond3A_298 {
        %jit3A_371 = arith.constant 8 : i32
        %div3A_372 = arith.divsi %add3A_293, %jit3A_371 : i32
        %sign3A_373 = arith.constant 0 : i32
        %sign3A_374 = arith.cmpi sgt, %add3A_293, %sign3A_373 : i32
        %sign3A_375 = arith.extui %sign3A_374 : i1 to i32
        %sign3A_376 = arith.constant 0 : i32
        %sign3A_377 = arith.cmpi slt, %add3A_293, %sign3A_376 : i32
        %sign3A_378 = arith.extui %sign3A_377 : i1 to i32
        %sign3A_379 = arith.subi %sign3A_375, %sign3A_378 : i32
        %sign3A_380 = arith.constant 0 : i32
        %sign3A_381 = arith.cmpi sgt, %jit3A_371, %sign3A_380 : i32
        %sign3A_382 = arith.extui %sign3A_381 : i1 to i32
        %sign3A_383 = arith.constant 0 : i32
        %sign3A_384 = arith.cmpi slt, %jit3A_371, %sign3A_383 : i32
        %sign3A_385 = arith.extui %sign3A_384 : i1 to i32
        %sign3A_386 = arith.subi %sign3A_382, %sign3A_385 : i32
        %ne3A_387 = arith.cmpi ne, %sign3A_379, %sign3A_386 : i32
        %rem3A_388 = arith.remsi %add3A_293, %jit3A_371 : i32
        %ne3A_389 = arith.constant 0 : i32
        %ne3A_390 = arith.cmpi ne, %rem3A_388, %ne3A_389 : i32
        %and3A_391 = arith.andi %ne3A_387, %ne3A_390 : i1
        %sub3A_392 = arith.constant 1 : i32
        %sub3A_393 = arith.subi %div3A_372, %sub3A_392 : i32
        %select_n3A_394 = arith.select %and3A_391, %sub3A_393, %div3A_372 : i32
        %rem3A_395 = arith.constant 8 : i32
        %rem3A_396 = arith.remsi %add3A_293, %rem3A_395 : i32
        %mul3A_397 = arith.constant 64 : i32
        %mul3A_398 = arith.muli %rem3A_396, %mul3A_397 : i32
        %mul3A_399 = arith.constant 2 : i32
        %mul3A_400 = arith.muli %mul3A_399, %add3A : i32
        %jit3A_401 = arith.constant 3 : i32
        %div3A_402 = arith.divsi %select_n3A_394, %jit3A_401 : i32
        %sign3A_403 = arith.constant 0 : i32
        %sign3A_404 = arith.cmpi sgt, %select_n3A_394, %sign3A_403 : i32
        %sign3A_405 = arith.extui %sign3A_404 : i1 to i32
        %sign3A_406 = arith.constant 0 : i32
        %sign3A_407 = arith.cmpi slt, %select_n3A_394, %sign3A_406 : i32
        %sign3A_408 = arith.extui %sign3A_407 : i1 to i32
        %sign3A_409 = arith.subi %sign3A_405, %sign3A_408 : i32
        %sign3A_410 = arith.constant 0 : i32
        %sign3A_411 = arith.cmpi sgt, %jit3A_401, %sign3A_410 : i32
        %sign3A_412 = arith.extui %sign3A_411 : i1 to i32
        %sign3A_413 = arith.constant 0 : i32
        %sign3A_414 = arith.cmpi slt, %jit3A_401, %sign3A_413 : i32
        %sign3A_415 = arith.extui %sign3A_414 : i1 to i32
        %sign3A_416 = arith.subi %sign3A_412, %sign3A_415 : i32
        %ne3A_417 = arith.cmpi ne, %sign3A_409, %sign3A_416 : i32
        %rem3A_418 = arith.remsi %select_n3A_394, %jit3A_401 : i32
        %ne3A_419 = arith.constant 0 : i32
        %ne3A_420 = arith.cmpi ne, %rem3A_418, %ne3A_419 : i32
        %and3A_421 = arith.andi %ne3A_417, %ne3A_420 : i1
        %sub3A_422 = arith.constant 1 : i32
        %sub3A_423 = arith.subi %div3A_402, %sub3A_422 : i32
        %select_n3A_424 = arith.select %and3A_421, %sub3A_423, %div3A_402 : i32
        %add3A_425 = arith.addi %mul3A_400, %select_n3A_424 : i32
        %rem3A_426 = arith.constant 3 : i32
        %rem3A_427 = arith.remsi %select_n3A_394, %rem3A_426 : i32
        %dma_start3A_428 = arith.constant 0 : i32
        %dma_start3A_429 = tpu.memref_slice %arg3[%add3A_425, %rem3A_427, %mul3A_398, %dma_start3A_428] : memref<64x3x512x512xf32, #tpu.memory_space<hbm>> -> memref<1x1x64x512xf32, #tpu.memory_space<hbm>>
        %dma_start3A_430 = tpu.memref_squeeze %dma_start3A_429 : memref<1x1x64x512xf32, #tpu.memory_space<hbm>> -> memref<64x512xf32, #tpu.memory_space<hbm>>
        %dma_start3A_431 = arith.constant 0 : i32
        %dma_start3A_432 = tpu.memref_slice %arg3[%add3A_425, %rem3A_427, %mul3A_398, %dma_start3A_431] : memref<64x3x512x512xf32, #tpu.memory_space<hbm>> -> memref<1x1x64x512xf32, #tpu.memory_space<hbm>>
        %dma_start3A_433 = tpu.memref_squeeze %dma_start3A_432 : memref<1x1x64x512xf32, #tpu.memory_space<hbm>> -> memref<64x512xf32, #tpu.memory_space<hbm>>
        tpu.enqueue_dma source(%dma_start3A_433 : memref<64x512xf32, #tpu.memory_space<hbm>>) target(%arg7 : memref<64x512xf32, #tpu.memory_space<vmem>>) target_semaphore(%arg9 : memref<!tpu.dma_semaphore, #tpu.memory_space<semaphore_mem>>)
      } else {
      }
      %jit3A_299 = arith.constant 8 : i32
      %div3A_300 = arith.divsi %add3A_291, %jit3A_299 : i32
      %sign3A_301 = arith.constant 0 : i32
      %sign3A_302 = arith.cmpi sgt, %add3A_291, %sign3A_301 : i32
      %sign3A_303 = arith.extui %sign3A_302 : i1 to i32
      %sign3A_304 = arith.constant 0 : i32
      %sign3A_305 = arith.cmpi slt, %add3A_291, %sign3A_304 : i32
      %sign3A_306 = arith.extui %sign3A_305 : i1 to i32
      %sign3A_307 = arith.subi %sign3A_303, %sign3A_306 : i32
      %sign3A_308 = arith.constant 0 : i32
      %sign3A_309 = arith.cmpi sgt, %jit3A_299, %sign3A_308 : i32
      %sign3A_310 = arith.extui %sign3A_309 : i1 to i32
      %sign3A_311 = arith.constant 0 : i32
      %sign3A_312 = arith.cmpi slt, %jit3A_299, %sign3A_311 : i32
      %sign3A_313 = arith.extui %sign3A_312 : i1 to i32
      %sign3A_314 = arith.subi %sign3A_310, %sign3A_313 : i32
      %ne3A_315 = arith.cmpi ne, %sign3A_307, %sign3A_314 : i32
      %rem3A_316 = arith.remsi %add3A_291, %jit3A_299 : i32
      %ne3A_317 = arith.constant 0 : i32
      %ne3A_318 = arith.cmpi ne, %rem3A_316, %ne3A_317 : i32
      %and3A_319 = arith.andi %ne3A_315, %ne3A_318 : i1
      %sub3A_320 = arith.constant 1 : i32
      %sub3A_321 = arith.subi %div3A_300, %sub3A_320 : i32
      %select_n3A_322 = arith.select %and3A_319, %sub3A_321, %div3A_300 : i32
      %rem3A_323 = arith.constant 8 : i32
      %rem3A_324 = arith.remsi %add3A_291, %rem3A_323 : i32
      %mul3A_325 = arith.constant 64 : i32
      %mul3A_326 = arith.muli %rem3A_324, %mul3A_325 : i32
      %mul3A_327 = arith.constant 2 : i32
      %mul3A_328 = arith.muli %mul3A_327, %add3A : i32
      %jit3A_329 = arith.constant 3 : i32
      %div3A_330 = arith.divsi %select_n3A_322, %jit3A_329 : i32
      %sign3A_331 = arith.constant 0 : i32
      %sign3A_332 = arith.cmpi sgt, %select_n3A_322, %sign3A_331 : i32
      %sign3A_333 = arith.extui %sign3A_332 : i1 to i32
      %sign3A_334 = arith.constant 0 : i32
      %sign3A_335 = arith.cmpi slt, %select_n3A_322, %sign3A_334 : i32
      %sign3A_336 = arith.extui %sign3A_335 : i1 to i32
      %sign3A_337 = arith.subi %sign3A_333, %sign3A_336 : i32
      %sign3A_338 = arith.constant 0 : i32
      %sign3A_339 = arith.cmpi sgt, %jit3A_329, %sign3A_338 : i32
      %sign3A_340 = arith.extui %sign3A_339 : i1 to i32
      %sign3A_341 = arith.constant 0 : i32
      %sign3A_342 = arith.cmpi slt, %jit3A_329, %sign3A_341 : i32
      %sign3A_343 = arith.extui %sign3A_342 : i1 to i32
      %sign3A_344 = arith.subi %sign3A_340, %sign3A_343 : i32
      %ne3A_345 = arith.cmpi ne, %sign3A_337, %sign3A_344 : i32
      %rem3A_346 = arith.remsi %select_n3A_322, %jit3A_329 : i32
      %ne3A_347 = arith.constant 0 : i32
      %ne3A_348 = arith.cmpi ne, %rem3A_346, %ne3A_347 : i32
      %and3A_349 = arith.andi %ne3A_345, %ne3A_348 : i1
      %sub3A_350 = arith.constant 1 : i32
      %sub3A_351 = arith.subi %div3A_330, %sub3A_350 : i32
      %select_n3A_352 = arith.select %and3A_349, %sub3A_351, %div3A_330 : i32
      %add3A_353 = arith.addi %mul3A_328, %select_n3A_352 : i32
      %rem3A_354 = arith.constant 3 : i32
      %rem3A_355 = arith.remsi %select_n3A_322, %rem3A_354 : i32
      %dma_wait3A_356 = arith.constant 0 : i32
      %dma_wait3A_357 = tpu.memref_slice %arg3[%add3A_353, %rem3A_355, %mul3A_326, %dma_wait3A_356] : memref<64x3x512x512xf32, #tpu.memory_space<hbm>> -> memref<1x1x64x512xf32, #tpu.memory_space<hbm>>
      %dma_wait3A_358 = tpu.memref_squeeze %dma_wait3A_357 : memref<1x1x64x512xf32, #tpu.memory_space<hbm>> -> memref<64x512xf32, #tpu.memory_space<hbm>>
      %dma_wait3A_359 = arith.constant 0 : i32
      %dma_wait3A_360 = tpu.memref_slice %arg3[%add3A_353, %rem3A_355, %mul3A_326, %dma_wait3A_359] : memref<64x3x512x512xf32, #tpu.memory_space<hbm>> -> memref<1x1x64x512xf32, #tpu.memory_space<hbm>>
      %dma_wait3A_361 = tpu.memref_squeeze %dma_wait3A_360 : memref<1x1x64x512xf32, #tpu.memory_space<hbm>> -> memref<64x512xf32, #tpu.memory_space<hbm>>
      tpu.wait_dma2 semaphore(%arg10 : memref<!tpu.dma_semaphore, #tpu.memory_space<semaphore_mem>>) src(%dma_wait3A_361 : memref<64x512xf32, #tpu.memory_space<hbm>>) dst(%arg8 : memref<64x512xf32, #tpu.memory_space<vmem>>)
      %add3A_362 = arith.constant 3 : i32
      %add3A_363 = arith.addi %add3A_362, %rem3A_355 : i32
      %mul3A_364 = arith.constant 4096 : i32
      %mul3A_365 = arith.muli %add3A_363, %mul3A_364 : i32
      %add3A_366 = vector.broadcast %mul3A_365 : i32 to vector<16xi32>
      %add3A_367 = arith.addi %iota3A, %add3A_366 : vector<16xi32>
      %parallel_loop3A_368 = arith.constant 0 : i32
      %parallel_loop3A_369 = arith.constant 2048 : i32
      %parallel_loop3A_370 = arith.constant 1 : i32
      scf.for %parallel_loop3A_371 = %parallel_loop3A_368 to %parallel_loop3A_369 step %parallel_loop3A_370  : i32 {
        %parallel_loop3A_372 = arith.constant 32 : i32
        %parallel_loop3A_373 = arith.divsi %parallel_loop3A_371, %parallel_loop3A_372 : i32
        %parallel_loop3A_374 = arith.constant 0 : i32
        %parallel_loop3A_375 = arith.cmpi sgt, %parallel_loop3A_371, %parallel_loop3A_374 : i32
        %parallel_loop3A_376 = arith.extui %parallel_loop3A_375 : i1 to i32
        %parallel_loop3A_377 = arith.constant 0 : i32
        %parallel_loop3A_378 = arith.cmpi slt, %parallel_loop3A_371, %parallel_loop3A_377 : i32
        %parallel_loop3A_379 = arith.extui %parallel_loop3A_378 : i1 to i32
        %parallel_loop3A_380 = arith.subi %parallel_loop3A_376, %parallel_loop3A_379 : i32
        %parallel_loop3A_381 = arith.constant 0 : i32
        %parallel_loop3A_382 = arith.cmpi sgt, %parallel_loop3A_372, %parallel_loop3A_381 : i32
        %parallel_loop3A_383 = arith.extui %parallel_loop3A_382 : i1 to i32
        %parallel_loop3A_384 = arith.constant 0 : i32
        %parallel_loop3A_385 = arith.cmpi slt, %parallel_loop3A_372, %parallel_loop3A_384 : i32
        %parallel_loop3A_386 = arith.extui %parallel_loop3A_385 : i1 to i32
        %parallel_loop3A_387 = arith.subi %parallel_loop3A_383, %parallel_loop3A_386 : i32
        %parallel_loop3A_388 = arith.cmpi ne, %parallel_loop3A_380, %parallel_loop3A_387 : i32
        %parallel_loop3A_389 = arith.remsi %parallel_loop3A_371, %parallel_loop3A_372 : i32
        %parallel_loop3A_390 = arith.constant 0 : i32
        %parallel_loop3A_391 = arith.cmpi ne, %parallel_loop3A_389, %parallel_loop3A_390 : i32
        %parallel_loop3A_392 = arith.andi %parallel_loop3A_388, %parallel_loop3A_391 : i1
        %parallel_loop3A_393 = arith.constant 1 : i32
        %parallel_loop3A_394 = arith.subi %parallel_loop3A_373, %parallel_loop3A_393 : i32
        %parallel_loop3A_395 = arith.select %parallel_loop3A_392, %parallel_loop3A_394, %parallel_loop3A_373 : i32
        %parallel_loop3A_396 = arith.constant 32 : i32
        %parallel_loop3A_397 = arith.remsi %parallel_loop3A_371, %parallel_loop3A_396 : i32
        %parallel_loop3A_398 = arith.constant 16 : i32
        %parallel_loop3A_399 = arith.muli %parallel_loop3A_397, %parallel_loop3A_398 : i32
        %parallel_loop3A_400 = arith.index_cast %parallel_loop3A_395 : i32 to index
        %parallel_loop3A_401 = arith.index_cast %parallel_loop3A_399 : i32 to index
        %parallel_loop3A_402 = tpu.vector_load %arg8[%parallel_loop3A_400, %parallel_loop3A_401] {strides = array<i32>} : memref<64x512xf32, #tpu.memory_space<vmem>>, vector<16xf32>,
        %parallel_loop3A_403 = arith.constant 1.600000e+01 : f32
        %parallel_loop3A_404 = vector.broadcast %parallel_loop3A_403 : f32 to vector<16xf32>
        %parallel_loop3A_405 = arith.mulf %parallel_loop3A_402, %parallel_loop3A_404 : vector<16xf32>
        %parallel_loop3A_406 = arith.fptosi %parallel_loop3A_405 : vector<16xf32> to vector<16xi32>
        %parallel_loop3A_407 = arith.constant 4080 : i32
        %parallel_loop3A_408 = vector.broadcast %parallel_loop3A_407 : i32 to vector<16xi32>
        %parallel_loop3A_409 = arith.andi %parallel_loop3A_406, %parallel_loop3A_408 : vector<16xi32>
        %parallel_loop3A_410 = arith.ori %add3A_367, %parallel_loop3A_409 : vector<16xi32>
        tpu.vector_store_idx %arg5[%parallel_loop3A_410], %broadcast_in_dim3A_5 {add = true} : memref<24576xf32, #tpu.memory_space<vmem>>[vector<16xi32>], vector<16xf32>,
      } {sc.loop_unroll_factor = 16 : i64, sc.parallel_access}
    }
    %scan3A_50 = arith.constant 24 : i32
    %iota3A_51 = tpu.iota {dimensions = array<i32: 0>} : vector<16xi32>
    %mul3A_52 = arith.constant 16 : i32
    %mul3A_53 = vector.broadcast %mul3A_52 : i32 to vector<16xi32>
    %mul3A_54 = arith.muli %iota3A_51, %mul3A_53 : vector<16xi32>
    %add3A_55 = arith.constant 0 : i32
    %add3A_56 = vector.broadcast %add3A_55 : i32 to vector<16xi32>
    %add3A_57 = arith.addi %iota3A_51, %add3A_56 : vector<16xi32>
    %and3A = arith.constant 15 : i32
    %and3A_58 = vector.broadcast %and3A : i32 to vector<16xi32>
    %and3A_59 = arith.andi %add3A_57, %and3A_58 : vector<16xi32>
    %add3A_60 = arith.addi %mul3A_54, %and3A_59 : vector<16xi32>
    %mul3A_61 = arith.constant 16 : i32
    %mul3A_62 = vector.broadcast %mul3A_61 : i32 to vector<16xi32>
    %mul3A_63 = arith.muli %iota3A_51, %mul3A_62 : vector<16xi32>
    %add3A_64 = arith.constant 1 : i32
    %add3A_65 = vector.broadcast %add3A_64 : i32 to vector<16xi32>
    %add3A_66 = arith.addi %iota3A_51, %add3A_65 : vector<16xi32>
    %and3A_67 = arith.constant 15 : i32
    %and3A_68 = vector.broadcast %and3A_67 : i32 to vector<16xi32>
    %and3A_69 = arith.andi %add3A_66, %and3A_68 : vector<16xi32>
    %add3A_70 = arith.addi %mul3A_63, %and3A_69 : vector<16xi32>
    %mul3A_71 = arith.constant 16 : i32
    %mul3A_72 = vector.broadcast %mul3A_71 : i32 to vector<16xi32>
    %mul3A_73 = arith.muli %iota3A_51, %mul3A_72 : vector<16xi32>
    %add3A_74 = arith.constant 2 : i32
    %add3A_75 = vector.broadcast %add3A_74 : i32 to vector<16xi32>
    %add3A_76 = arith.addi %iota3A_51, %add3A_75 : vector<16xi32>
    %and3A_77 = arith.constant 15 : i32
    %and3A_78 = vector.broadcast %and3A_77 : i32 to vector<16xi32>
    %and3A_79 = arith.andi %add3A_76, %and3A_78 : vector<16xi32>
    %add3A_80 = arith.addi %mul3A_73, %and3A_79 : vector<16xi32>
    %mul3A_81 = arith.constant 16 : i32
    %mul3A_82 = vector.broadcast %mul3A_81 : i32 to vector<16xi32>
    %mul3A_83 = arith.muli %iota3A_51, %mul3A_82 : vector<16xi32>
    %add3A_84 = arith.constant 3 : i32
    %add3A_85 = vector.broadcast %add3A_84 : i32 to vector<16xi32>
    %add3A_86 = arith.addi %iota3A_51, %add3A_85 : vector<16xi32>
    %and3A_87 = arith.constant 15 : i32
    %and3A_88 = vector.broadcast %and3A_87 : i32 to vector<16xi32>
    %and3A_89 = arith.andi %add3A_86, %and3A_88 : vector<16xi32>
    %add3A_90 = arith.addi %mul3A_83, %and3A_89 : vector<16xi32>
    %mul3A_91 = arith.constant 16 : i32
    %mul3A_92 = vector.broadcast %mul3A_91 : i32 to vector<16xi32>
    %mul3A_93 = arith.muli %iota3A_51, %mul3A_92 : vector<16xi32>
    %add3A_94 = arith.constant 4 : i32
    %add3A_95 = vector.broadcast %add3A_94 : i32 to vector<16xi32>
    %add3A_96 = arith.addi %iota3A_51, %add3A_95 : vector<16xi32>
    %and3A_97 = arith.constant 15 : i32
    %and3A_98 = vector.broadcast %and3A_97 : i32 to vector<16xi32>
    %and3A_99 = arith.andi %add3A_96, %and3A_98 : vector<16xi32>
    %add3A_100 = arith.addi %mul3A_93, %and3A_99 : vector<16xi32>
    %mul3A_101 = arith.constant 16 : i32
    %mul3A_102 = vector.broadcast %mul3A_101 : i32 to vector<16xi32>
    %mul3A_103 = arith.muli %iota3A_51, %mul3A_102 : vector<16xi32>
    %add3A_104 = arith.constant 5 : i32
    %add3A_105 = vector.broadcast %add3A_104 : i32 to vector<16xi32>
    %add3A_106 = arith.addi %iota3A_51, %add3A_105 : vector<16xi32>
    %and3A_107 = arith.constant 15 : i32
    %and3A_108 = vector.broadcast %and3A_107 : i32 to vector<16xi32>
    %and3A_109 = arith.andi %add3A_106, %and3A_108 : vector<16xi32>
    %add3A_110 = arith.addi %mul3A_103, %and3A_109 : vector<16xi32>
    %mul3A_111 = arith.constant 16 : i32
    %mul3A_112 = vector.broadcast %mul3A_111 : i32 to vector<16xi32>
    %mul3A_113 = arith.muli %iota3A_51, %mul3A_112 : vector<16xi32>
    %add3A_114 = arith.constant 6 : i32
    %add3A_115 = vector.broadcast %add3A_114 : i32 to vector<16xi32>
    %add3A_116 = arith.addi %iota3A_51, %add3A_115 : vector<16xi32>
    %and3A_117 = arith.constant 15 : i32
    %and3A_118 = vector.broadcast %and3A_117 : i32 to vector<16xi32>
    %and3A_119 = arith.andi %add3A_116, %and3A_118 : vector<16xi32>
    %add3A_120 = arith.addi %mul3A_113, %and3A_119 : vector<16xi32>
    %mul3A_121 = arith.constant 16 : i32
    %mul3A_122 = vector.broadcast %mul3A_121 : i32 to vector<16xi32>
    %mul3A_123 = arith.muli %iota3A_51, %mul3A_122 : vector<16xi32>
    %add3A_124 = arith.constant 7 : i32
    %add3A_125 = vector.broadcast %add3A_124 : i32 to vector<16xi32>
    %add3A_126 = arith.addi %iota3A_51, %add3A_125 : vector<16xi32>
    %and3A_127 = arith.constant 15 : i32
    %and3A_128 = vector.broadcast %and3A_127 : i32 to vector<16xi32>
    %and3A_129 = arith.andi %add3A_126, %and3A_128 : vector<16xi32>
    %add3A_130 = arith.addi %mul3A_123, %and3A_129 : vector<16xi32>
    %mul3A_131 = arith.constant 16 : i32
    %mul3A_132 = vector.broadcast %mul3A_131 : i32 to vector<16xi32>
    %mul3A_133 = arith.muli %iota3A_51, %mul3A_132 : vector<16xi32>
    %add3A_134 = arith.constant 8 : i32
    %add3A_135 = vector.broadcast %add3A_134 : i32 to vector<16xi32>
    %add3A_136 = arith.addi %iota3A_51, %add3A_135 : vector<16xi32>
    %and3A_137 = arith.constant 15 : i32
    %and3A_138 = vector.broadcast %and3A_137 : i32 to vector<16xi32>
    %and3A_139 = arith.andi %add3A_136, %and3A_138 : vector<16xi32>
    %add3A_140 = arith.addi %mul3A_133, %and3A_139 : vector<16xi32>
    %mul3A_141 = arith.constant 16 : i32
    %mul3A_142 = vector.broadcast %mul3A_141 : i32 to vector<16xi32>
    %mul3A_143 = arith.muli %iota3A_51, %mul3A_142 : vector<16xi32>
    %add3A_144 = arith.constant 9 : i32
    %add3A_145 = vector.broadcast %add3A_144 : i32 to vector<16xi32>
    %add3A_146 = arith.addi %iota3A_51, %add3A_145 : vector<16xi32>
    %and3A_147 = arith.constant 15 : i32
    %and3A_148 = vector.broadcast %and3A_147 : i32 to vector<16xi32>
    %and3A_149 = arith.andi %add3A_146, %and3A_148 : vector<16xi32>
    %add3A_150 = arith.addi %mul3A_143, %and3A_149 : vector<16xi32>
    %mul3A_151 = arith.constant 16 : i32
    %mul3A_152 = vector.broadcast %mul3A_151 : i32 to vector<16xi32>
    %mul3A_153 = arith.muli %iota3A_51, %mul3A_152 : vector<16xi32>
    %add3A_154 = arith.constant 10 : i32
    %add3A_155 = vector.broadcast %add3A_154 : i32 to vector<16xi32>
    %add3A_156 = arith.addi %iota3A_51, %add3A_155 : vector<16xi32>
    %and3A_157 = arith.constant 15 : i32
    %and3A_158 = vector.broadcast %and3A_157 : i32 to vector<16xi32>
    %and3A_159 = arith.andi %add3A_156, %and3A_158 : vector<16xi32>
    %add3A_160 = arith.addi %mul3A_153, %and3A_159 : vector<16xi32>
    %mul3A_161 = arith.constant 16 : i32
    %mul3A_162 = vector.broadcast %mul3A_161 : i32 to vector<16xi32>
    %mul3A_163 = arith.muli %iota3A_51, %mul3A_162 : vector<16xi32>
    %add3A_164 = arith.constant 11 : i32
    %add3A_165 = vector.broadcast %add3A_164 : i32 to vector<16xi32>
    %add3A_166 = arith.addi %iota3A_51, %add3A_165 : vector<16xi32>
    %and3A_167 = arith.constant 15 : i32
    %and3A_168 = vector.broadcast %and3A_167 : i32 to vector<16xi32>
    %and3A_169 = arith.andi %add3A_166, %and3A_168 : vector<16xi32>
    %add3A_170 = arith.addi %mul3A_163, %and3A_169 : vector<16xi32>
    %mul3A_171 = arith.constant 16 : i32
    %mul3A_172 = vector.broadcast %mul3A_171 : i32 to vector<16xi32>
    %mul3A_173 = arith.muli %iota3A_51, %mul3A_172 : vector<16xi32>
    %add3A_174 = arith.constant 12 : i32
    %add3A_175 = vector.broadcast %add3A_174 : i32 to vector<16xi32>
    %add3A_176 = arith.addi %iota3A_51, %add3A_175 : vector<16xi32>
    %and3A_177 = arith.constant 15 : i32
    %and3A_178 = vector.broadcast %and3A_177 : i32 to vector<16xi32>
    %and3A_179 = arith.andi %add3A_176, %and3A_178 : vector<16xi32>
    %add3A_180 = arith.addi %mul3A_173, %and3A_179 : vector<16xi32>
    %mul3A_181 = arith.constant 16 : i32
    %mul3A_182 = vector.broadcast %mul3A_181 : i32 to vector<16xi32>
    %mul3A_183 = arith.muli %iota3A_51, %mul3A_182 : vector<16xi32>
    %add3A_184 = arith.constant 13 : i32
    %add3A_185 = vector.broadcast %add3A_184 : i32 to vector<16xi32>
    %add3A_186 = arith.addi %iota3A_51, %add3A_185 : vector<16xi32>
    %and3A_187 = arith.constant 15 : i32
    %and3A_188 = vector.broadcast %and3A_187 : i32 to vector<16xi32>
    %and3A_189 = arith.andi %add3A_186, %and3A_188 : vector<16xi32>
    %add3A_190 = arith.addi %mul3A_183, %and3A_189 : vector<16xi32>
    %mul3A_191 = arith.constant 16 : i32
    %mul3A_192 = vector.broadcast %mul3A_191 : i32 to vector<16xi32>
    %mul3A_193 = arith.muli %iota3A_51, %mul3A_192 : vector<16xi32>
    %add3A_194 = arith.constant 14 : i32
    %add3A_195 = vector.broadcast %add3A_194 : i32 to vector<16xi32>
    %add3A_196 = arith.addi %iota3A_51, %add3A_195 : vector<16xi32>
    %and3A_197 = arith.constant 15 : i32
    %and3A_198 = vector.broadcast %and3A_197 : i32 to vector<16xi32>
    %and3A_199 = arith.andi %add3A_196, %and3A_198 : vector<16xi32>
    %add3A_200 = arith.addi %mul3A_193, %and3A_199 : vector<16xi32>
    %mul3A_201 = arith.constant 16 : i32
    %mul3A_202 = vector.broadcast %mul3A_201 : i32 to vector<16xi32>
    %mul3A_203 = arith.muli %iota3A_51, %mul3A_202 : vector<16xi32>
    %add3A_204 = arith.constant 15 : i32
    %add3A_205 = vector.broadcast %add3A_204 : i32 to vector<16xi32>
    %add3A_206 = arith.addi %iota3A_51, %add3A_205 : vector<16xi32>
    %and3A_207 = arith.constant 15 : i32
    %and3A_208 = vector.broadcast %and3A_207 : i32 to vector<16xi32>
    %and3A_209 = arith.andi %add3A_206, %and3A_208 : vector<16xi32>
    %add3A_210 = arith.addi %mul3A_203, %and3A_209 : vector<16xi32>
    %parallel_loop3A_211 = arith.constant 0 : i32
    %parallel_loop3A_212 = arith.constant 96 : i32
    %parallel_loop3A_213 = arith.constant 1 : i32
    scf.for %parallel_loop3A_214 = %parallel_loop3A_211 to %parallel_loop3A_212 step %parallel_loop3A_213  : i32 {
      %parallel_loop3A_215 = arith.constant 256 : i32
      %parallel_loop3A_216 = arith.muli %parallel_loop3A_214, %parallel_loop3A_215 : i32
      %parallel_loop3A_217 = vector.broadcast %parallel_loop3A_216 : i32 to vector<16xi32>
      %parallel_loop3A_218 = arith.addi %parallel_loop3A_217, %add3A_60 : vector<16xi32>
      %parallel_loop3A_219 = tpu.vector_load_idx %arg5[%parallel_loop3A_218] : memref<24576xf32, #tpu.memory_space<vmem>>[vector<16xi32>], vector<16xf32>,
      %parallel_loop3A_220 = arith.addf %broadcast_in_dim3A_1, %parallel_loop3A_219 : vector<16xf32>
      %parallel_loop3A_221 = arith.constant 256 : i32
      %parallel_loop3A_222 = arith.muli %parallel_loop3A_214, %parallel_loop3A_221 : i32
      %parallel_loop3A_223 = vector.broadcast %parallel_loop3A_222 : i32 to vector<16xi32>
      %parallel_loop3A_224 = arith.addi %parallel_loop3A_223, %add3A_70 : vector<16xi32>
      %parallel_loop3A_225 = tpu.vector_load_idx %arg5[%parallel_loop3A_224] : memref<24576xf32, #tpu.memory_space<vmem>>[vector<16xi32>], vector<16xf32>,
      %parallel_loop3A_226 = arith.addf %parallel_loop3A_220, %parallel_loop3A_225 : vector<16xf32>
      %parallel_loop3A_227 = arith.constant 256 : i32
      %parallel_loop3A_228 = arith.muli %parallel_loop3A_214, %parallel_loop3A_227 : i32
      %parallel_loop3A_229 = vector.broadcast %parallel_loop3A_228 : i32 to vector<16xi32>
      %parallel_loop3A_230 = arith.addi %parallel_loop3A_229, %add3A_80 : vector<16xi32>
      %parallel_loop3A_231 = tpu.vector_load_idx %arg5[%parallel_loop3A_230] : memref<24576xf32, #tpu.memory_space<vmem>>[vector<16xi32>], vector<16xf32>,
      %parallel_loop3A_232 = arith.addf %parallel_loop3A_226, %parallel_loop3A_231 : vector<16xf32>
      %parallel_loop3A_233 = arith.constant 256 : i32
      %parallel_loop3A_234 = arith.muli %parallel_loop3A_214, %parallel_loop3A_233 : i32
      %parallel_loop3A_235 = vector.broadcast %parallel_loop3A_234 : i32 to vector<16xi32>
      %parallel_loop3A_236 = arith.addi %parallel_loop3A_235, %add3A_90 : vector<16xi32>
      %parallel_loop3A_237 = tpu.vector_load_idx %arg5[%parallel_loop3A_236] : memref<24576xf32, #tpu.memory_space<vmem>>[vector<16xi32>], vector<16xf32>,
      %parallel_loop3A_238 = arith.addf %parallel_loop3A_232, %parallel_loop3A_237 : vector<16xf32>
      %parallel_loop3A_239 = arith.constant 256 : i32
      %parallel_loop3A_240 = arith.muli %parallel_loop3A_214, %parallel_loop3A_239 : i32
      %parallel_loop3A_241 = vector.broadcast %parallel_loop3A_240 : i32 to vector<16xi32>
      %parallel_loop3A_242 = arith.addi %parallel_loop3A_241, %add3A_100 : vector<16xi32>
      %parallel_loop3A_243 = tpu.vector_load_idx %arg5[%parallel_loop3A_242] : memref<24576xf32, #tpu.memory_space<vmem>>[vector<16xi32>], vector<16xf32>,
      %parallel_loop3A_244 = arith.addf %parallel_loop3A_238, %parallel_loop3A_243 : vector<16xf32>
      %parallel_loop3A_245 = arith.constant 256 : i32
      %parallel_loop3A_246 = arith.muli %parallel_loop3A_214, %parallel_loop3A_245 : i32
      %parallel_loop3A_247 = vector.broadcast %parallel_loop3A_246 : i32 to vector<16xi32>
      %parallel_loop3A_248 = arith.addi %parallel_loop3A_247, %add3A_110 : vector<16xi32>
      %parallel_loop3A_249 = tpu.vector_load_idx %arg5[%parallel_loop3A_248] : memref<24576xf32, #tpu.memory_space<vmem>>[vector<16xi32>], vector<16xf32>,
      %parallel_loop3A_250 = arith.addf %parallel_loop3A_244, %parallel_loop3A_249 : vector<16xf32>
      %parallel_loop3A_251 = arith.constant 256 : i32
      %parallel_loop3A_252 = arith.muli %parallel_loop3A_214, %parallel_loop3A_251 : i32
      %parallel_loop3A_253 = vector.broadcast %parallel_loop3A_252 : i32 to vector<16xi32>
      %parallel_loop3A_254 = arith.addi %parallel_loop3A_253, %add3A_120 : vector<16xi32>
      %parallel_loop3A_255 = tpu.vector_load_idx %arg5[%parallel_loop3A_254] : memref<24576xf32, #tpu.memory_space<vmem>>[vector<16xi32>], vector<16xf32>,
      %parallel_loop3A_256 = arith.addf %parallel_loop3A_250, %parallel_loop3A_255 : vector<16xf32>
      %parallel_loop3A_257 = arith.constant 256 : i32
      %parallel_loop3A_258 = arith.muli %parallel_loop3A_214, %parallel_loop3A_257 : i32
      %parallel_loop3A_259 = vector.broadcast %parallel_loop3A_258 : i32 to vector<16xi32>
      %parallel_loop3A_260 = arith.addi %parallel_loop3A_259, %add3A_130 : vector<16xi32>
      %parallel_loop3A_261 = tpu.vector_load_idx %arg5[%parallel_loop3A_260] : memref<24576xf32, #tpu.memory_space<vmem>>[vector<16xi32>], vector<16xf32>,
      %parallel_loop3A_262 = arith.addf %parallel_loop3A_256, %parallel_loop3A_261 : vector<16xf32>
      %parallel_loop3A_263 = arith.constant 256 : i32
      %parallel_loop3A_264 = arith.muli %parallel_loop3A_214, %parallel_loop3A_263 : i32
      %parallel_loop3A_265 = vector.broadcast %parallel_loop3A_264 : i32 to vector<16xi32>
      %parallel_loop3A_266 = arith.addi %parallel_loop3A_265, %add3A_140 : vector<16xi32>
      %parallel_loop3A_267 = tpu.vector_load_idx %arg5[%parallel_loop3A_266] : memref<24576xf32, #tpu.memory_space<vmem>>[vector<16xi32>], vector<16xf32>,
      %parallel_loop3A_268 = arith.addf %parallel_loop3A_262, %parallel_loop3A_267 : vector<16xf32>
      %parallel_loop3A_269 = arith.constant 256 : i32
      %parallel_loop3A_270 = arith.muli %parallel_loop3A_214, %parallel_loop3A_269 : i32
      %parallel_loop3A_271 = vector.broadcast %parallel_loop3A_270 : i32 to vector<16xi32>
      %parallel_loop3A_272 = arith.addi %parallel_loop3A_271, %add3A_150 : vector<16xi32>
      %parallel_loop3A_273 = tpu.vector_load_idx %arg5[%parallel_loop3A_272] : memref<24576xf32, #tpu.memory_space<vmem>>[vector<16xi32>], vector<16xf32>,
      %parallel_loop3A_274 = arith.addf %parallel_loop3A_268, %parallel_loop3A_273 : vector<16xf32>
      %parallel_loop3A_275 = arith.constant 256 : i32
      %parallel_loop3A_276 = arith.muli %parallel_loop3A_214, %parallel_loop3A_275 : i32
      %parallel_loop3A_277 = vector.broadcast %parallel_loop3A_276 : i32 to vector<16xi32>
      %parallel_loop3A_278 = arith.addi %parallel_loop3A_277, %add3A_160 : vector<16xi32>
      %parallel_loop3A_279 = tpu.vector_load_idx %arg5[%parallel_loop3A_278] : memref<24576xf32, #tpu.memory_space<vmem>>[vector<16xi32>], vector<16xf32>,
      %parallel_loop3A_280 = arith.addf %parallel_loop3A_274, %parallel_loop3A_279 : vector<16xf32>
      %parallel_loop3A_281 = arith.constant 256 : i32
      %parallel_loop3A_282 = arith.muli %parallel_loop3A_214, %parallel_loop3A_281 : i32
      %parallel_loop3A_283 = vector.broadcast %parallel_loop3A_282 : i32 to vector<16xi32>
      %parallel_loop3A_284 = arith.addi %parallel_loop3A_283, %add3A_170 : vector<16xi32>
      %parallel_loop3A_285 = tpu.vector_load_idx %arg5[%parallel_loop3A_284] : memref<24576xf32, #tpu.memory_space<vmem>>[vector<16xi32>], vector<16xf32>,
      %parallel_loop3A_286 = arith.addf %parallel_loop3A_280, %parallel_loop3A_285 : vector<16xf32>
      %parallel_loop3A_287 = arith.constant 256 : i32
      %parallel_loop3A_288 = arith.muli %parallel_loop3A_214, %parallel_loop3A_287 : i32
      %parallel_loop3A_289 = vector.broadcast %parallel_loop3A_288 : i32 to vector<16xi32>
      %parallel_loop3A_290 = arith.addi %parallel_loop3A_289, %add3A_180 : vector<16xi32>
      %parallel_loop3A_291 = tpu.vector_load_idx %arg5[%parallel_loop3A_290] : memref<24576xf32, #tpu.memory_space<vmem>>[vector<16xi32>], vector<16xf32>,
      %parallel_loop3A_292 = arith.addf %parallel_loop3A_286, %parallel_loop3A_291 : vector<16xf32>
      %parallel_loop3A_293 = arith.constant 256 : i32
      %parallel_loop3A_294 = arith.muli %parallel_loop3A_214, %parallel_loop3A_293 : i32
      %parallel_loop3A_295 = vector.broadcast %parallel_loop3A_294 : i32 to vector<16xi32>
      %parallel_loop3A_296 = arith.addi %parallel_loop3A_295, %add3A_190 : vector<16xi32>
      %parallel_loop3A_297 = tpu.vector_load_idx %arg5[%parallel_loop3A_296] : memref<24576xf32, #tpu.memory_space<vmem>>[vector<16xi32>], vector<16xf32>,
      %parallel_loop3A_298 = arith.addf %parallel_loop3A_292, %parallel_loop3A_297 : vector<16xf32>
      %parallel_loop3A_299 = arith.constant 256 : i32
      %parallel_loop3A_300 = arith.muli %parallel_loop3A_214, %parallel_loop3A_299 : i32
      %parallel_loop3A_301 = vector.broadcast %parallel_loop3A_300 : i32 to vector<16xi32>
      %parallel_loop3A_302 = arith.addi %parallel_loop3A_301, %add3A_200 : vector<16xi32>
      %parallel_loop3A_303 = tpu.vector_load_idx %arg5[%parallel_loop3A_302] : memref<24576xf32, #tpu.memory_space<vmem>>[vector<16xi32>], vector<16xf32>,
      %parallel_loop3A_304 = arith.addf %parallel_loop3A_298, %parallel_loop3A_303 : vector<16xf32>
      %parallel_loop3A_305 = arith.constant 256 : i32
      %parallel_loop3A_306 = arith.muli %parallel_loop3A_214, %parallel_loop3A_305 : i32
      %parallel_loop3A_307 = vector.broadcast %parallel_loop3A_306 : i32 to vector<16xi32>
      %parallel_loop3A_308 = arith.addi %parallel_loop3A_307, %add3A_210 : vector<16xi32>
      %parallel_loop3A_309 = tpu.vector_load_idx %arg5[%parallel_loop3A_308] : memref<24576xf32, #tpu.memory_space<vmem>>[vector<16xi32>], vector<16xf32>,
      %parallel_loop3A_310 = arith.addf %parallel_loop3A_304, %parallel_loop3A_309 : vector<16xf32>
      %parallel_loop3A_311 = arith.constant 16 : i32
      %parallel_loop3A_312 = arith.muli %parallel_loop3A_214, %parallel_loop3A_311 : i32
      %parallel_loop3A_313 = arith.index_cast %parallel_loop3A_312 : i32 to index
      %parallel_loop3A_314 = tpu.vector_load %arg6[%parallel_loop3A_313] {strides = array<i32>} : memref<1536xf32, #tpu.memory_space<vmem>>, vector<16xf32>,
      tpu.vector_store %arg6[%parallel_loop3A_313], %parallel_loop3A_310 {strides = array<i32>} : memref<1536xf32, #tpu.memory_space<vmem>>, vector<16xf32>,
    } {sc.loop_unroll_factor = 1 : i64, sc.parallel_access}
    "tpu.region"() ({
      %run_scoped3A = tpu.sem_alloc : memref<!tpu.dma_semaphore, #tpu.memory_space<semaphore_mem>>
      %dma_start3A_214 = arith.constant 0 : i32
      %dma_start3A_215 = tpu.memref_slice %arg4[%add3A, %dma_start3A_214] : memref<32x1536xf32, #tpu.memory_space<hbm>> -> memref<1x1536xf32, #tpu.memory_space<hbm>>
      %dma_start3A_216 = tpu.memref_squeeze %dma_start3A_215 : memref<1x1536xf32, #tpu.memory_space<hbm>> -> memref<1536xf32, #tpu.memory_space<hbm>>
      %dma_start3A_217 = arith.constant 0 : i32
      %dma_start3A_218 = tpu.memref_slice %arg4[%add3A, %dma_start3A_217] : memref<32x1536xf32, #tpu.memory_space<hbm>> -> memref<1x1536xf32, #tpu.memory_space<hbm>>
      %dma_start3A_219 = tpu.memref_squeeze %dma_start3A_218 : memref<1x1536xf32, #tpu.memory_space<hbm>> -> memref<1536xf32, #tpu.memory_space<hbm>>
      tpu.enqueue_dma source(%arg6 : memref<1536xf32, #tpu.memory_space<vmem>>) target(%dma_start3A_219 : memref<1536xf32, #tpu.memory_space<hbm>>) target_semaphore(%run_scoped3A : memref<!tpu.dma_semaphore, #tpu.memory_space<semaphore_mem>>)
      %dma_wait3A = arith.constant 0 : i32
      %dma_wait3A_220 = tpu.memref_slice %arg4[%add3A, %dma_wait3A] : memref<32x1536xf32, #tpu.memory_space<hbm>> -> memref<1x1536xf32, #tpu.memory_space<hbm>>
      %dma_wait3A_221 = tpu.memref_squeeze %dma_wait3A_220 : memref<1x1536xf32, #tpu.memory_space<hbm>> -> memref<1536xf32, #tpu.memory_space<hbm>>
      %dma_wait3A_222 = arith.constant 0 : i32
      %dma_wait3A_223 = tpu.memref_slice %arg4[%add3A, %dma_wait3A_222] : memref<32x1536xf32, #tpu.memory_space<hbm>> -> memref<1x1536xf32, #tpu.memory_space<hbm>>
      %dma_wait3A_224 = tpu.memref_squeeze %dma_wait3A_223 : memref<1x1536xf32, #tpu.memory_space<hbm>> -> memref<1536xf32, #tpu.memory_space<hbm>>
      tpu.wait_dma2 semaphore(%run_scoped3A : memref<!tpu.dma_semaphore, #tpu.memory_space<semaphore_mem>>) src(%arg6 : memref<1536xf32, #tpu.memory_space<vmem>>) dst(%dma_wait3A_224 : memref<1536xf32, #tpu.memory_space<hbm>>)
      tpu.yield
    }) : () -> ()
    return
  }
}

module attributes {stable_mosaic.version = 14 : i64} {
  func.func @_finalize_body(%arg0: memref<32x1536xf32, #tpu.memory_space<vmem>>, %arg1: memref<1x1xf32, #tpu.memory_space<vmem>>) attributes {dimension_semantics = [], scalar_prefetch = 0 : i64, scratch_operands = 0 : i64, tpu.core_type = #tpu.core_type<tc>} {
    %get3A = arith.constant 0 : index
    %get3A_0 = arith.constant 0 : index
    %get3A_1 = vector.load %arg0[%get3A, %get3A_0] : memref<32x1536xf32, #tpu.memory_space<vmem>>, vector<32x1536xf32>
    %reduce_sum3A = arith.constant dense<0.000000e+00> : vector<1536xf32>
    %reduce_sum3A_2 = vector.multi_reduction <add>, %get3A_1, %reduce_sum3A [0] : vector<32x1536xf32> to vector<1536xf32>
    %broadcast_in_dim3A = vector.shape_cast %reduce_sum3A_2 : vector<1536xf32> to vector<1x1536xf32>
    %slice3A = vector.extract_strided_slice %broadcast_in_dim3A {offsets = [0, 0], sizes = [1, 256], strides = [1, 1]} : vector<1x1536xf32> to vector<1x256xf32>
    %slice3A_3 = vector.extract_strided_slice %broadcast_in_dim3A {offsets = [0, 768], sizes = [1, 256], strides = [1, 1]} : vector<1x1536xf32> to vector<1x256xf32>
    %mul3A = arith.mulf %slice3A, %slice3A_3 : vector<1x256xf32>
    %sqrt3A = math.sqrt %mul3A : vector<1x256xf32>
    %reduce_sum3A_4 = vector.shape_cast %sqrt3A : vector<1x256xf32> to vector<1x1x256xf32>
    %reduce_sum3A_5 = arith.constant dense<0.000000e+00> : vector<1xf32>
    %reduce_sum3A_6 = vector.multi_reduction <add>, %reduce_sum3A_4, %reduce_sum3A_5 [1, 2] : vector<1x1x256xf32> to vector<1xf32>
    %reduce_sum3A_7 = vector.shape_cast %reduce_sum3A_6 : vector<1xf32> to vector<1x1x1xf32>
    %reduce_sum3A_8 = vector.extract %reduce_sum3A_7[0, 0, 0] : f32 from vector<1x1x1xf32>
    %reduce_sum3A_9 = vector.shape_cast %slice3A : vector<1x256xf32> to vector<1x1x256xf32>
    %reduce_sum3A_10 = arith.constant dense<0.000000e+00> : vector<1xf32>
    %reduce_sum3A_11 = vector.multi_reduction <add>, %reduce_sum3A_9, %reduce_sum3A_10 [1, 2] : vector<1x1x256xf32> to vector<1xf32>
    %reduce_sum3A_12 = vector.shape_cast %reduce_sum3A_11 : vector<1xf32> to vector<1x1x1xf32>
    %reduce_sum3A_13 = vector.extract %reduce_sum3A_12[0, 0, 0] : f32 from vector<1x1x1xf32>
    %div3A = arith.constant 2.560000e+02 : f32
    %div3A_14 = arith.divf %reduce_sum3A_13, %div3A : f32
    %reduce_sum3A_15 = vector.shape_cast %slice3A_3 : vector<1x256xf32> to vector<1x1x256xf32>
    %reduce_sum3A_16 = arith.constant dense<0.000000e+00> : vector<1xf32>
    %reduce_sum3A_17 = vector.multi_reduction <add>, %reduce_sum3A_15, %reduce_sum3A_16 [1, 2] : vector<1x1x256xf32> to vector<1xf32>
    %reduce_sum3A_18 = vector.shape_cast %reduce_sum3A_17 : vector<1xf32> to vector<1x1x1xf32>
    %reduce_sum3A_19 = vector.extract %reduce_sum3A_18[0, 0, 0] : f32 from vector<1x1x1xf32>
    %div3A_20 = arith.constant 2.560000e+02 : f32
    %div3A_21 = arith.divf %reduce_sum3A_19, %div3A_20 : f32
    %mul3A_22 = arith.mulf %div3A_14, %div3A_21 : f32
    %mul3A_23 = arith.constant 6.553600e+04 : f32
    %mul3A_24 = arith.mulf %mul3A_22, %mul3A_23 : f32
    %add3A = arith.constant 9.99999996E-13 : f32
    %add3A_25 = arith.addf %mul3A_24, %add3A : f32
    %sqrt3A_26 = math.sqrt %add3A_25 : f32
    %div3A_27 = arith.divf %reduce_sum3A_8, %sqrt3A_26 : f32
    %sub3A = arith.constant 1.000000e+00 : f32
    %sub3A_28 = arith.subf %sub3A, %div3A_27 : f32
    %jit3A = arith.constant 0.000000e+00 : f32
    %jit3A_29 = arith.constant 1.000000e+00 : f32
    %max3A = arith.maximumf %jit3A, %sub3A_28 : f32
    %min3A = arith.minimumf %jit3A_29, %max3A : f32
    %sqrt3A_30 = math.sqrt %min3A : f32
    %add3A_31 = arith.constant 0.000000e+00 : f32
    %add3A_32 = arith.addf %add3A_31, %sqrt3A_30 : f32
    %slice3A_33 = vector.extract_strided_slice %broadcast_in_dim3A {offsets = [0, 256], sizes = [1, 256], strides = [1, 1]} : vector<1x1536xf32> to vector<1x256xf32>
    %slice3A_34 = vector.extract_strided_slice %broadcast_in_dim3A {offsets = [0, 1024], sizes = [1, 256], strides = [1, 1]} : vector<1x1536xf32> to vector<1x256xf32>
    %mul3A_35 = arith.mulf %slice3A_33, %slice3A_34 : vector<1x256xf32>
    %sqrt3A_36 = math.sqrt %mul3A_35 : vector<1x256xf32>
    %reduce_sum3A_37 = vector.shape_cast %sqrt3A_36 : vector<1x256xf32> to vector<1x1x256xf32>
    %reduce_sum3A_38 = arith.constant dense<0.000000e+00> : vector<1xf32>
    %reduce_sum3A_39 = vector.multi_reduction <add>, %reduce_sum3A_37, %reduce_sum3A_38 [1, 2] : vector<1x1x256xf32> to vector<1xf32>
    %reduce_sum3A_40 = vector.shape_cast %reduce_sum3A_39 : vector<1xf32> to vector<1x1x1xf32>
    %reduce_sum3A_41 = vector.extract %reduce_sum3A_40[0, 0, 0] : f32 from vector<1x1x1xf32>
    %reduce_sum3A_42 = vector.shape_cast %slice3A_33 : vector<1x256xf32> to vector<1x1x256xf32>
    %reduce_sum3A_43 = arith.constant dense<0.000000e+00> : vector<1xf32>
    %reduce_sum3A_44 = vector.multi_reduction <add>, %reduce_sum3A_42, %reduce_sum3A_43 [1, 2] : vector<1x1x256xf32> to vector<1xf32>
    %reduce_sum3A_45 = vector.shape_cast %reduce_sum3A_44 : vector<1xf32> to vector<1x1x1xf32>
    %reduce_sum3A_46 = vector.extract %reduce_sum3A_45[0, 0, 0] : f32 from vector<1x1x1xf32>
    %div3A_47 = arith.constant 2.560000e+02 : f32
    %div3A_48 = arith.divf %reduce_sum3A_46, %div3A_47 : f32
    %reduce_sum3A_49 = vector.shape_cast %slice3A_34 : vector<1x256xf32> to vector<1x1x256xf32>
    %reduce_sum3A_50 = arith.constant dense<0.000000e+00> : vector<1xf32>
    %reduce_sum3A_51 = vector.multi_reduction <add>, %reduce_sum3A_49, %reduce_sum3A_50 [1, 2] : vector<1x1x256xf32> to vector<1xf32>
    %reduce_sum3A_52 = vector.shape_cast %reduce_sum3A_51 : vector<1xf32> to vector<1x1x1xf32>
    %reduce_sum3A_53 = vector.extract %reduce_sum3A_52[0, 0, 0] : f32 from vector<1x1x1xf32>
    %div3A_54 = arith.constant 2.560000e+02 : f32
    %div3A_55 = arith.divf %reduce_sum3A_53, %div3A_54 : f32
    %mul3A_56 = arith.mulf %div3A_48, %div3A_55 : f32
    %mul3A_57 = arith.constant 6.553600e+04 : f32
    %mul3A_58 = arith.mulf %mul3A_56, %mul3A_57 : f32
    %add3A_59 = arith.constant 9.99999996E-13 : f32
    %add3A_60 = arith.addf %mul3A_58, %add3A_59 : f32
    %sqrt3A_61 = math.sqrt %add3A_60 : f32
    %div3A_62 = arith.divf %reduce_sum3A_41, %sqrt3A_61 : f32
    %sub3A_63 = arith.constant 1.000000e+00 : f32
    %sub3A_64 = arith.subf %sub3A_63, %div3A_62 : f32
    %jit3A_65 = arith.constant 0.000000e+00 : f32
    %jit3A_66 = arith.constant 1.000000e+00 : f32
    %max3A_67 = arith.maximumf %jit3A_65, %sub3A_64 : f32
    %min3A_68 = arith.minimumf %jit3A_66, %max3A_67 : f32
    %sqrt3A_69 = math.sqrt %min3A_68 : f32
    %add3A_70 = arith.addf %add3A_32, %sqrt3A_69 : f32
    %slice3A_71 = vector.extract_strided_slice %broadcast_in_dim3A {offsets = [0, 512], sizes = [1, 256], strides = [1, 1]} : vector<1x1536xf32> to vector<1x256xf32>
    %slice3A_72 = vector.extract_strided_slice %broadcast_in_dim3A {offsets = [0, 1280], sizes = [1, 256], strides = [1, 1]} : vector<1x1536xf32> to vector<1x256xf32>
    %mul3A_73 = arith.mulf %slice3A_71, %slice3A_72 : vector<1x256xf32>
    %sqrt3A_74 = math.sqrt %mul3A_73 : vector<1x256xf32>
    %reduce_sum3A_75 = vector.shape_cast %sqrt3A_74 : vector<1x256xf32> to vector<1x1x256xf32>
    %reduce_sum3A_76 = arith.constant dense<0.000000e+00> : vector<1xf32>
    %reduce_sum3A_77 = vector.multi_reduction <add>, %reduce_sum3A_75, %reduce_sum3A_76 [1, 2] : vector<1x1x256xf32> to vector<1xf32>
    %reduce_sum3A_78 = vector.shape_cast %reduce_sum3A_77 : vector<1xf32> to vector<1x1x1xf32>
    %reduce_sum3A_79 = vector.extract %reduce_sum3A_78[0, 0, 0] : f32 from vector<1x1x1xf32>
    %reduce_sum3A_80 = vector.shape_cast %slice3A_71 : vector<1x256xf32> to vector<1x1x256xf32>
    %reduce_sum3A_81 = arith.constant dense<0.000000e+00> : vector<1xf32>
    %reduce_sum3A_82 = vector.multi_reduction <add>, %reduce_sum3A_80, %reduce_sum3A_81 [1, 2] : vector<1x1x256xf32> to vector<1xf32>
    %reduce_sum3A_83 = vector.shape_cast %reduce_sum3A_82 : vector<1xf32> to vector<1x1x1xf32>
    %reduce_sum3A_84 = vector.extract %reduce_sum3A_83[0, 0, 0] : f32 from vector<1x1x1xf32>
    %div3A_85 = arith.constant 2.560000e+02 : f32
    %div3A_86 = arith.divf %reduce_sum3A_84, %div3A_85 : f32
    %reduce_sum3A_87 = vector.shape_cast %slice3A_72 : vector<1x256xf32> to vector<1x1x256xf32>
    %reduce_sum3A_88 = arith.constant dense<0.000000e+00> : vector<1xf32>
    %reduce_sum3A_89 = vector.multi_reduction <add>, %reduce_sum3A_87, %reduce_sum3A_88 [1, 2] : vector<1x1x256xf32> to vector<1xf32>
    %reduce_sum3A_90 = vector.shape_cast %reduce_sum3A_89 : vector<1xf32> to vector<1x1x1xf32>
    %reduce_sum3A_91 = vector.extract %reduce_sum3A_90[0, 0, 0] : f32 from vector<1x1x1xf32>
    %div3A_92 = arith.constant 2.560000e+02 : f32
    %div3A_93 = arith.divf %reduce_sum3A_91, %div3A_92 : f32
    %mul3A_94 = arith.mulf %div3A_86, %div3A_93 : f32
    %mul3A_95 = arith.constant 6.553600e+04 : f32
    %mul3A_96 = arith.mulf %mul3A_94, %mul3A_95 : f32
    %add3A_97 = arith.constant 9.99999996E-13 : f32
    %add3A_98 = arith.addf %mul3A_96, %add3A_97 : f32
    %sqrt3A_99 = math.sqrt %add3A_98 : f32
    %div3A_100 = arith.divf %reduce_sum3A_79, %sqrt3A_99 : f32
    %sub3A_101 = arith.constant 1.000000e+00 : f32
    %sub3A_102 = arith.subf %sub3A_101, %div3A_100 : f32
    %jit3A_103 = arith.constant 0.000000e+00 : f32
    %jit3A_104 = arith.constant 1.000000e+00 : f32
    %max3A_105 = arith.maximumf %jit3A_103, %sub3A_102 : f32
    %min3A_106 = arith.minimumf %jit3A_104, %max3A_105 : f32
    %sqrt3A_107 = math.sqrt %min3A_106 : f32
    %add3A_108 = arith.addf %add3A_70, %sqrt3A_107 : f32
    %broadcast_in_dim3A_109 = vector.broadcast %add3A_108 : f32 to vector<1x1xf32>
    %swap3A = arith.constant 0 : index
    %swap3A_110 = arith.constant 0 : index
    %swap3A_111 = vector.load %arg1[%swap3A, %swap3A_110] : memref<1x1xf32, #tpu.memory_space<vmem>>, vector<1x1xf32>
    tpu.vector_store %arg1[%swap3A, %swap3A_110], %broadcast_in_dim3A_109 {strides = array<i32>} : memref<1x1xf32, #tpu.memory_space<vmem>>, vector<1x1xf32>,
    return
  }
}

</mosaic_0001>

<sc_bundles>
// kernel: kernel.4.cloned.1.call-start
scs
__scs_entry_jumppad:
0x0: {  	(pc) =	sbr.rel $0x88, $3  }
0x1: {  	(tag) =	ssettag $0x0;
	lr =	simm.s32 $0x1  }
0x2: {  	[smem:$0x3F9F] =	sst lr;
	_ =	strace $0xD0000000  }
0x3: {  	_ = 	snop  }
0x4: {  	_ = 	snop  }
0x5: {  	_ = 	snop  }
0x6: {  	_ = 	snop  }
0x7: {  	_ = 	snop  }
__scs_overlays_trampoline_lowered:
0x8: {  	[smem:$0x3FAE] =	sst s0  }
0x9: {  	[smem:$0x3FAF] =	sst s1  }
0xa: {  	[smem:$0x3FB0] =	sst s2  }
0xb: {  	[smem:$0x3FB1] =	sst s3  }
0xc: {  	[smem:$0x3FB2] =	sst s4  }
0xd: {  	[smem:$0x3FB3] =	sst s5  }
0xe: {  	[smem:$0x3FB4] =	sst s6  }
0xf: {  	[smem:$0x3FB5] =	sst s7  }
0x10: {  	[smem:$0x3FB6] =	sst s8  }
0x11: {  	[smem:$0x3FB7] =	sst s9;
	s0 =	simm.s32 @!p0 $0x0  }
0x12: {  	s1 =	sld [smem:$0x3F9D];
	s0 =	simm.s32 @p0 $0x1  }
0x13: {  	[smem:$0x3FB8] =	sst s0;
	s0 =	simm.s32 @!p1 $0x0  }
0x14: {  	s2 =	sld [smem:$0x3F9C];
	s0 =	simm.s32 @p1 $0x1  }
0x15: {  	[smem:$0x3FB9] =	sst s0;
	s0 =	simm.s32 @!p2 $0x0  }
0x16: {  	s3 =	sld [smem:$0x3FDB];
	s0 =	simm.s32 @p2 $0x1  }
0x17: {  	s4 =	simm.s32 $0x1BF5;
	[smem:$0x3FBB] =	sst s0  }
0x18: {  	s0 =	sld [smem:$0x3F9E];
	_ =	swait.ge [sflag:s4], $0x0  }
0x19: {  	s7 =	sld [smem:$0x3F9F]  }
0x1a: {  	s8 =	sadd.s32 $0xFFFFE003, lr  }
0x1b: {  	s9 =	sadd.s32 $0xFFFFFEF7, lr;
	s5 =	simm.s32 $0xFFFFFFFF;
	p2 =	slt.u32 s8, $0xFFFFF086  }
0x1c: {  	p1 =	slt.u32 s9, $0xF7A;
	s5 =	simm.s32 @!p2 $0x0  }
0x1d: {  	s5 =	simm.s32 @p1 $0x1;
	p0 =	seq.s32 s7, s2  }
0x1e: {  	s7 =	smul.u32 @!p0 $0xF7A, s2;
	p2 =	seq.s32 @!p0 s5, $0x0  }
0x1f: {  	s9 =	smul.u32 $0xF7A, s1;
	s8 =	simm.s32 @!p0 $0x1BF5;
	p2 =	por !p2, p0  }
0x20: {  	[sflag:s8] =	ssyncset.s32 @!p0 $0xFFFFF086;
	s6 =	sadd.s32 @!p0 s3, s7;
	s7 =	simm.s32 @!p0 $0x108  }
0x21: {  	s3 =	sadd.s32 s3, s9;
	s6 =	sadd.s32 @!p0 $0x88, s6;
	s7 =	simm.s32 @p2 $0x1082  }
0x22: {  	[simem:s7], [sflag:s8] =	dma.local @!p0 [hbm:s6], $0xF7A  }
0x23: {  	s9 =	sor.u32 $0xD0000000, s2;
	s6 =	simm.s32 $0x108;
	_ =	swait.ge @!p0 [sflag:s8], $0x0  }
0x24: {  	s3 =	sadd.s32 $0x88, s3;
	s6 =	simm.s32 @!p1 $0x1082;
	[sflag:s4] =	ssyncset.s32 $0xFFFFF086  }
0x25: {  	[simem:s6], [sflag:s4] =	dma.local [hbm:s3], $0xF7A  }
0x26: {  	[smem:$0x3F9F] =	sst s1;
	(tag) =	ssettag s2;
	_ =	strace s9  }
0x27: {  	s1 =	sld [smem:$0x3FAF]  }
0x28: {  	s2 =	sld [smem:$0x3FB0]  }
0x29: {  	s4 =	sld [smem:$0x3FB2]  }
0x2a: {  	p0 =	seq.s32 s5, $0x0;
	s5 =	sld [smem:$0x3FB3]  }
0x2b: {  	s6 =	sld [smem:$0x3FB4]  }
0x2c: {  	s7 =	sld [smem:$0x3FB5]  }
0x2d: {  	s3 =	simm.s32 $0x108;
	s8 =	sld [smem:$0x3FB6]  }
0x2e: {  	s3 =	simm.s32 @!p0 $0x1082;
	s9 =	sld [smem:$0x3FB7]  }
0x2f: {  	lr =	sadd.s32 s0, s3;
	s0 =	sld [smem:$0x3FAE]  }
0x30: {  	s3 =	sld [smem:$0x3FB1]  }
0x31: {  	[smem:$0x3FBA] =	sst s10  }
0x32: {  	s10 =	sld [smem:$0x3FB8];
	_ =	sdelay $0x3  }
0x33: {  	p0 =	seq.s32 s10, $0x1;
	s10 =	sld [smem:$0x3FBA];
	_ =	sdelay $0x3  }
0x34: {  	[smem:$0x3FBA] =	sst s10  }
0x35: {  	s10 =	sld [smem:$0x3FB9];
	_ =	sdelay $0x3  }
0x36: {  	p1 =	seq.s32 s10, $0x1;
	s10 =	sld [smem:$0x3FBA];
	_ =	sdelay $0x3  }
0x37: {  	[smem:$0x3FBA] =	sst s10  }
0x38: {  	s10 =	sld [smem:$0x3FBB]  }
0x39: {  	_ = 	snop;
	(pc) =	sbr.ind lr, $3  }
0x3a: {  	_ = 	snop  }
0x3b: {  	_ = 	snop  }
0x3c: {  	p2 =	seq.s32 s10, $0x1;
	s10 =	sld [smem:$0x3FBA]  }
0x3d: {  	_ =	shalt  }
0x3e: {  	_ =	shalt  }
0x3f: {  	_ =	shalt  }
0x40: {  	_ =	shalt  }
0x41: {  	_ =	shalt  }
0x42: {  	_ =	shalt  }
0x43: {  	_ =	shalt  }
0x44: {  	_ =	shalt  }
0x45: {  	_ =	shalt  }
0x46: {  	_ =	shalt  }
0x47: {  	_ =	shalt  }
0x48: {  	_ =	shalt  }
0x49: {  	_ =	shalt  }
0x4a: {  	_ =	shalt  }
0x4b: {  	_ =	shalt  }
0x4c: {  	_ =	shalt  }
0x4d: {  	_ =	shalt  }
0x4e: {  	_ =	shalt  }
0x4f: {  	_ =	shalt  }
0x50: {  	_ =	shalt  }
0x51: {  	_ =	shalt  }
0x52: {  	_ =	shalt  }
0x53: {  	_ =	shalt  }
0x54: {  	_ =	shalt  }
0x55: {  	_ =	shalt  }
0x56: {  	_ =	shalt  }
0x57: {  	_ =	shalt  }
0x58: {  	_ =	shalt  }
0x59: {  	_ =	shalt  }
0x5a: {  	_ =	shalt  }
0x5b: {  	_ =	shalt  }
0x5c: {  	_ =	shalt  }
0x5d: {  	_ =	shalt  }
0x5e: {  	_ =	shalt  }
0x5f: {  	_ =	shalt  }
0x60: {  	_ =	shalt  }
0x61: {  	_ =	shalt  }
0x62: {  	_ =	shalt  }
0x63: {  	_ =	shalt  }
0x64: {  	_ =	shalt  }
0x65: {  	_ =	shalt  }
0x66: {  	_ =	shalt  }
0x67: {  	_ =	shalt  }
0x68: {  	_ =	shalt  }
0x69: {  	_ =	shalt  }
0x6a: {  	_ =	shalt  }
0x6b: {  	_ =	shalt  }
0x6c: {  	_ =	shalt  }
0x6d: {  	_ =	shalt  }
0x6e: {  	_ =	shalt  }
0x6f: {  	_ =	shalt  }
0x70: {  	_ =	shalt  }
0x71: {  	_ =	shalt  }
0x72: {  	_ =	shalt  }
0x73: {  	_ =	shalt  }
0x74: {  	_ =	shalt  }
0x75: {  	_ =	shalt  }
0x76: {  	_ =	shalt  }
0x77: {  	_ =	shalt  }
0x78: {  	_ =	shalt  }
0x79: {  	_ =	shalt  }
0x7a: {  	_ =	shalt  }
0x7b: {  	_ =	shalt  }
0x7c: {  	_ =	shalt  }
0x7d: {  	_ =	shalt  }
0x7e: {  	_ =	shalt  }
0x7f: {  	_ =	shalt  }
0x80: {  	_ =	shalt  }
0x81: {  	_ =	shalt  }
0x82: {  	_ =	shalt  }
0x83: {  	_ =	shalt  }
0x84: {  	_ =	shalt  }
0x85: {  	_ =	shalt  }
0x86: {  	_ =	shalt  }
0x87: {  	_ =	shalt  }
.Lfunc_end0:
.L_simem_size_0:
called_computation_lowered:
.L_overlay_start_0:
0x88: {  	s2 =	sld [smem:$0x3FD9]  }
0x89: {  	s3 =	sld [smem:$0x3FFE];
	_ =	sdelay $0x1  }
0x8a: {  	s1 =	srdreg.scid  }
0x8b: {  	s0 =	sand.u32 $0x1, s1  }
0x8c: {  	s17 =	sshll.u32 s0, $0xA;
	s2 =	sadd.s32 s3, s2  }
0x8d: {  	s2 =	sadd.s32 s2, s17  }
0x8e: {  	[smem:$0x3FC6] =	sst s2  }
0x8f: {  	_ = 	snop  }
0x90: {  	s2 =	sld [smem:$0x3FC9]  }
0x91: {  	s18 =	sld [smem:$0x3FC8];
	(tm) =	ssettm $0x1  }
0x92: {  	s4 =	sld [smem:$0x3FFB];
	_ =	sdelay $0x3  }
0x93: {  	_ =	strace s4  }
0x94: {  	s4 =	sld [smem:$0x3FFC];
	_ =	sdelay $0x3  }
0x95: {  	_ =	strace s4  }
0x96: {  	s4 =	sld [smem:$0x3FFD];
	_ =	sdelay $0x3  }
0x97: {  	_ =	strace s4  }
0x98: {  	_ =	strace $0x8FFFFFFF  }
0x99: {  	s19 =	sld [smem:$0x3FDB];
	_ =	sdelay $0x1  }
0x9a: {  	s5 =	simm.s32 $_scs_section_size  }
0x9b: {  	s6 =	simm.s32 $_size__tile_overlayer_lowered;
	s7 =	simm.s32 $_tile_overlayer_lowered  }
0x9c: {  	s22 =	simm.s32 $0x1BFF;
	s21 =	sshll.u32 s7, $0x1;
	s4 =	sadd.s32 s5, s19  }
0x9d: {  	s8 =	simm.s32 $0x0;
	s20 =	sshll.u32 s6, $0x1;
	s6 =	sadd.s32 s21, s4  }
0x9e: {  	[timem:s8], [sflag:s22] =	dma.local [hbm:s6], s20  }
0x9f: {  	_ =	swait.ge [sflag:s22], s20  }
0xa0: {  	s5 =	ssub.s32 $0x0, s20;
	[sflag:s22] =	ssyncset.done $0x0  }
0xa1: {  	[sflag:s22] =	ssyncadd.s32 s5;
	_ =	sdelay $0x1  }
0xa2: {  	s23 =	simm.s32 $0x1B8B  }
0xa3: {  	_ =	swait.ge [sflag:s23], $0x1  }
0xa4: {  	[sflag:s23] =	ssyncset.done $0x0  }
0xa5: {  	s25 =	simm.s32 $0x1B8E;
	s24 =	sld [smem:$0x3FFE];
	[sflag:s23] =	ssyncadd.s32 $0xFFFFFFFF  }
0xa6: {  	s26 =	simm.s32 $execute0_lowered;
	[smem:$0x3FD2] =	sst s25  }
0xa7: {  	s6 =	sshll.u32 s26, $0x1;
	_ =	strace $0x80000046;
	[dreg:$0x1] =	wrdreg $0xFFFFFFFF  }
0xa8: {  	s28 =	simm.s32 $_size_execute0_lowered;
	s4 =	sadd.s32 s4, s6;
	[dreg:$0x0] =	wrdreg $0x0  }
0xa9: {  	s6 =	sshll.u32 s28, $0x1;
	[dreg:$0x2] =	wrdreg s4  }
0xaa: {  	[dreg:$0x3] =	wrdreg s6  }
0xab: {  	[dreg:$0x4] =	wrdreg $0xC0  }
0xac: {  	_ =	task [dreg:s8], $0x5FFFF  }
0xad: {  	[dreg:$0x1] =	wrdreg $0xFFFFFFFF  }
0xae: {  	[dreg:$0x0] =	wrdreg $0x60  }
0xaf: {  	[dreg:$0x2] =	wrdreg s2  }
0xb0: {  	[dreg:$0x3] =	wrdreg s18  }
0xb1: {  	[dreg:$0x4] =	wrdreg s24  }
0xb2: {  	[dreg:$0x5] =	wrdreg $0x9  }
0xb3: {  	_ =	task.clear_ibuf [dreg:s8], $0x6FFFF;
	_ =	strace $0x90000046  }
0xb4: {  	s29 =	simm.s32 $0x9;
	_ =	strace $0x80000048  }
0xb5: {  	_ =	swait.ge [sflag:s29], $0x1  }
0xb6: {  	[sflag:s29] =	ssyncadd.s32 $0xFFFFFFFF  }
0xb7: {  	_ =	strace $0x90000048  }
0xb8: {  	_ =	sfence  }
0xb9: {  	s30 =	sld [smem:$0x0];
	_ =	sdelay $0x2  }
0xba: {  	s31 =	sshll.u32 s1, $0xD;
	s1 =	sshrl.u32 s1, $0x2  }
0xbb: {  	s3 =	sand.u32 $0x4000, s31;
	s1 =	sadd.s32 s1, s30  }
0xbc: {  	s0 =	sor.u32 s3, s0;
	s1 =	sshll.u32 s1, $0x11  }
0xbd: {  	s0 =	sor.u32 s1, s0  }
0xbe: {  	s0 =	sadd.s32 $0x8F2B, s0  }
0xbf: {  	[sflag:s0] =	ssyncadd.remote.s32 $0x1  }
0xc0: {  	_ =	sfence.sel $0xFFFF  }
0xc1: {  	[dreg:$0x0] =	wrdreg $0xFFFFFFFF;
	(pc) =	sbr.abs _section_cstart, $3  }
0xc2: {  	[dreg:$0x1] =	wrdreg $0xFFFFFFFF  }
0xc3: {  	_ =	task.clear_ibuf [dreg:s8], $0x2FFFF;
	_ =	strace $0x9FFFFFFF  }
0xc4: {  	(tm) =	ssettm $0x7FFFFFFF  }
0xc5: {  	_ =	shalt  }
tec
execute0_lowered:
.L_overlay_start_1:
0x0: {  	(tag) =	ssettag $0x1  }
0x1: {  	v0 =	vimm.s32 $0xBCAB9A89;
	v1 =	vimm.s32 $0xF0EFDECD  }
0x2: {  	v2 =	vimm.s32 $0x34231201;
	v3 =	vimm.s32 $0x78675645;
	v4 =	vimm.s32 $0xBDAC9B8A  }
0x3: {  	v5 =	vimm.s32 $0xF1E0DFCE;
	vm0 =	vcmask $0x1F10;
	v7 =	vimm.s32 $0x7A695847  }
0x4: {  	v9 =	vimm.s32 $0xB0AF9E8D;
	v12 =	vimm.s32 $0x7C6B5A49;
	v15 =	vimm.s32 $0x71605F4E  }
0x5: {  	v18 =	vimm.s32 $0x74635241;
	v19 =	vimm.s32 $0xB9A89786;
	v20 =	vimm.s32 $0xFDECDBCA  }
0x6: {  	v0 =	vunpack.c.0.s8.s32 v0;
	v1 =	vunpack.c.0.s8.s32 v1;
	v2 =	vunpack.c.0.s8.s32 v2  }
0x7: {  	v3 =	vunpack.c.0.s8.s32 v3;
	v6 =	vunpack.c.0.s8.s32 v4;
	v5 =	vunpack.c.0.s8.s32 v5  }
0x8: {  	v9 =	vunpack.c.0.s8.s32 v9;
	v12 =	vunpack.c.0.s8.s32 v12;
	v15 =	vunpack.c.0.s8.s32 v15  }
0x9: {  	v18 =	vunpack.c.0.s8.s32 v18;
	v0 =	vsel vm0, v1, v0;
	v1 =	vsel vm0, v3, v2  }
0xa: {  	v2 =	vimm.s32 $0x79685746;
	v3 =	vimm.s32 $0xBEAD9C8B;
	v4 =	vcombine.low v1, v0  }
0xb: {  	v0 =	vsel vm0, v5, v6;
	v1 =	vimm.s32 $0x35241302;
	v2 =	vunpack.c.0.s8.s32 v2  }
0xc: {  	v3 =	vunpack.c.0.s8.s32 v3;
	v5 =	vimm.s32 $0xF2E1D0CF;
	v1 =	vunpack.c.0.s8.s32 v1  }
0xd: {  	v6 =	vimm.s32 $0x36251403;
	v5 =	vunpack.c.0.s8.s32 v5;
	v4 =	vand.u32 $0xFF, v4  }
0xe: {  	v1 =	vsel vm0, v2, v1;
	v2 =	vunpack.c.0.s8.s32 v6;
	v6 =	vunpack.c.0.s8.s32 v7  }
0xf: {  	v3 =	vsel vm0, v5, v3;
	v5 =	vimm.s32 $0xBFAE9D8C;
	v7 =	vimm.s32 $0xF3E2D1C0  }
0x10: {  	v8 =	vunpack.c.0.s8.s32 v5;
	v7 =	vunpack.c.0.s8.s32 v7;
	v5 =	vimm.s32 $0x37261504  }
0x11: {  	v2 =	vsel vm0, v6, v2;
	v6 =	vimm.s32 $0x7B6A5948;
	v10 =	vunpack.c.0.s8.s32 v5  }
0x12: {  	v5 =	vimm.s32 $0xF4E3D2C1;
	v11 =	vunpack.c.0.s8.s32 v6;
	v6 =	vimm.s32 $0x38271605  }
0x13: {  	v13 =	vunpack.c.0.s8.s32 v5;
	v5 =	vcombine.low v1, v0;
	v0 =	vsel vm0, v7, v8  }
0x14: {  	v7 =	vimm.s32 $0xB1A09F8E;
	v8 =	vimm.s32 $0xF5E4D3C2;
	v14 =	vunpack.c.0.s8.s32 v6  }
0x15: {  	v6 =	vcombine.low v2, v3;
	v1 =	vsel vm0, v11, v10;
	v2 =	vsel vm0, v13, v9  }
0x16: {  	v9 =	vimm.s32 $0x39281706;
	v10 =	vunpack.c.0.s8.s32 v7;
	v11 =	vunpack.c.0.s8.s32 v8  }
0x17: {  	v7 =	vimm.s32 $0x7D6C5B4A;
	v8 =	vimm.s32 $0xB2A1908F;
	v5 =	vand.u32 $0xFF, v5  }
0x18: {  	v3 =	vsel vm0, v12, v14;
	v9 =	vunpack.c.0.s8.s32 v9;
	v12 =	vimm.s32 $0xF6E5D4C3  }
0x19: {  	v13 =	vunpack.c.0.s8.s32 v7;
	v14 =	vunpack.c.0.s8.s32 v8;
	v7 =	vcombine.low v1, v0  }
0x1a: {  	v6 =	vand.u32 $0xFF, v6;
	v12 =	vunpack.c.0.s8.s32 v12;
	v8 =	vcombine.low v3, v2  }
0x1b: {  	v0 =	vsel vm0, v11, v10;
	v3 =	vimm.s32 $0x3A291807;
	v10 =	vimm.s32 $0xB3A29180  }
0x1c: {  	v11 =	vimm.s32 $0xF7E6D5C4;
	v1 =	vsel vm0, v13, v9;
	v3 =	vunpack.c.0.s8.s32 v3  }
0x1d: {  	v9 =	vimm.s32 $0x7E6D5C4B;
	v10 =	vunpack.c.0.s8.s32 v10;
	v11 =	vunpack.c.0.s8.s32 v11  }
0x1e: {  	v13 =	vimm.s32 $0x7F6E5D4C;
	v7 =	vand.u32 $0xFF, v7;
	v9 =	vunpack.c.0.s8.s32 v9  }
0x1f: {  	v2 =	vsel vm0, v12, v14;
	v12 =	vimm.s32 $0x3B2A1908;
	v8 =	vand.u32 $0xFF, v8  }
0x20: {  	v3 =	vsel vm0, v9, v3;
	v9 =	vunpack.c.0.s8.s32 v12;
	v12 =	vunpack.c.0.s8.s32 v13  }
0x21: {  	v13 =	vcombine.low v1, v0;
	v0 =	vsel vm0, v11, v10;
	v10 =	vimm.s32 $0xF9E8D7C6  }
0x22: {  	v14 =	vcombine.low v3, v2;
	v2 =	vimm.s32 $0xB4A39281;
	v3 =	vimm.s32 $0xF8E7D6C5  }
0x23: {  	v10 =	vunpack.c.0.s8.s32 v10;
	v1 =	vsel vm0, v12, v9;
	v9 =	vimm.s32 $0xB5A49382  }
0x24: {  	v12 =	vimm.s32 $0x3D2C1B0A;
	v11 =	vcombine.low v1, v0;
	v0 =	vunpack.c.0.s8.s32 v2  }
0x25: {  	v1 =	vunpack.c.0.s8.s32 v3;
	v2 =	vimm.s32 $0x3C2B1A09;
	v3 =	vimm.s32 $0x706F5E4D  }
0x26: {  	v9 =	vunpack.c.0.s8.s32 v9;
	v2 =	vunpack.c.0.s8.s32 v2;
	v3 =	vunpack.c.0.s8.s32 v3  }
0x27: {  	v12 =	vunpack.c.0.s8.s32 v12;
	v0 =	vsel vm0, v1, v0;
	v11 =	vand.u32 $0xFF, v11  }
0x28: {  	v1 =	vsel vm0, v3, v2;
	v2 =	vimm.s32 $0xB6A59483;
	v3 =	vsel vm0, v10, v9  }
0x29: {  	v9 =	vsel vm0, v15, v12;
	v10 =	vimm.s32 $0xFAE9D8C7;
	v12 =	vimm.s32 $0x3E2D1C0B  }
0x2a: {  	v15 =	vimm.s32 $0x7261504F;
	v2 =	vunpack.c.0.s8.s32 v2;
	v10 =	vunpack.c.0.s8.s32 v10  }
0x2b: {  	v12 =	vunpack.c.0.s8.s32 v12;
	v15 =	vunpack.c.0.s8.s32 v15;
	v16 =	vcombine.low v1, v0  }
0x2c: {  	v17 =	vcombine.low v9, v3;
	v3 =	vimm.s32 $0x73625140;
	v9 =	vimm.s32 $0xB8A79685  }
0x2d: {  	v3 =	vunpack.c.0.s8.s32 v3;
	v9 =	vunpack.c.0.s8.s32 v9;
	v0 =	vsel vm0, v10, v2  }
0x2e: {  	v1 =	vsel vm0, v15, v12;
	v2 =	vimm.s32 $0xB7A69584;
	v10 =	vimm.s32 $0xFCEBDAC9  }
0x2f: {  	v12 =	vimm.s32 $0x302F1E0D;
	v15 =	vcombine.low v1, v0;
	v1 =	vimm.s32 $0xFBEAD9C8  }
0x30: {  	v0 =	vunpack.c.0.s8.s32 v2;
	v2 =	vimm.s32 $0x3F2E1D0C;
	v1 =	vunpack.c.0.s8.s32 v1  }
0x31: {  	v10 =	vunpack.c.0.s8.s32 v10;
	v12 =	vunpack.c.0.s8.s32 v12;
	v2 =	vunpack.c.0.s8.s32 v2  }
0x32: {  	s0 =	rddreg [dreg:$0x0];
	s2 =	srdreg.scid;
	v0 =	vsel vm0, v1, v0;
	v1 =	vunpack.c.0.s8.s32 v19;
	v19 =	vunpack.c.0.s8.s32 v20  }
0x33: {  	s1 =	stileid.u32;
	s8 =	rddreg [dreg:$0x2];
	v2 =	vsel vm0, v3, v2;
	v3 =	vsel vm0, v10, v9;
	v9 =	vsel vm0, v18, v12  }
0x34: {  	s12 =	simm.s32 $0xE600;
	s15 =	simm.s32 $0x400;
	s16 =	simm.s32 $0x6000;
	v10 =	vimm.s32 $0x76655443;
	v18 =	vcombine.low v2, v0;
	v20 =	vcombine.low v9, v3  }
0x35: {  	s11 =	simm.s32 $0x1;
	s13 =	simm.s32 $0x2;
	s14 =	simm.s32 $0x80;
	v0 =	vimm.s32 $0x31201F0E;
	v2 =	vimm.s32 $0xBAA99887;
	v9 =	vimm.s32 $0x3221100F  }
0x36: {  	s17 =	simm.s32 $0x3;
	s18 =	simm.s32 $0x0;
	s5 =	sand.u32 $0x1, s2;
	v10 =	vunpack.c.0.s8.s32 v10;
	v19 =	vsel vm0, v19, v1;
	v1 =	vimm.s32 $0x75645342  }
0x37: {  	s3 =	sshll.u32 s1, $0x1;
	s4 =	sshrl.u32 s1, $0x2;
	s2 =	rddreg [dreg:$0x1];
	v3 =	vunpack.c.0.s8.s32 v0;
	v0 =	vimm.s32 $0xFEEDDCCB;
	v9 =	vunpack.c.0.s8.s32 v9  }
0x38: {  	s6 =	sor.u32 s5, s3;
	s7 =	smul.u32 $0x3000, s4;
	s3 =	rddreg [dreg:$0x3];
	v2 =	vunpack.c.0.s8.s32 v2;
	v1 =	vunpack.c.0.s8.s32 v1;
	v12 =	vunpack.c.0.s8.s32 v0  }
0x39: {  	s4 =	simm.s32 $0x0;
	s5 =	ssub.s32 $0x2, s5;
	s9 =	sshll.u32 s6, $0x7;
	v0 =	vimm.f32 $0.0e+00;
	v23 =	vsel vm0, v10, v9;
	v9 =	vand.u32 $0xFF, v13  }
0x3a: {  	[smem:$0x7FF] =	sst s4;
	s30 =	smul.u32 $0x30000, s6;
	s9 =	sand.u32 $0x380, s9;
	v10 =	vand.u32 $0xFF, v14;
	v13 =	vand.u32 $0xFF, v17;
	v14 =	vand.u32 $0xFF, v15  }
0x3b: {  	s31 =	sshrl.u32 s5, $0x1;
	_ =	strace $0x80000047;
	s7 =	sor.u32 s7, s9;
	v15 =	vand.u32 $0xFF, v18;
	v21 =	vsel vm0, v1, v3;
	v22 =	vsel vm0, v12, v2  }
0x3c: {  	s10 =	ssub.s32 s5, s31;
	s5 =	sshll.u32 s6, $0x1;
	s7 =	sshrl.u32 s7, $0x3;
	v1 =	vlaneseq.u32;
	v19 =	vcombine.low v21, v19;
	v63 =	vcombine.low v23, v22  }
0x3d: {  	s6 =	sadd.s32 s0, s30;
	s9 =	smax.u32 s10, $0x1;
	s8 =	sadd.s32 s7, s8;
	v2 =	vimm.f32 $1.000000000e+00;
	v12 =	vand.u32 $0xFF, v16;
	v16 =	vand.u32 $0xFF, v20  }
0x3e: {  	s10 =	simm.s32 $0x6600;
	s7 =	sadd.s32 s2, s30;
	s8 =	sadd.s32 $0x600, s8;
	v3 =	vmul.u32 $0x11, v1;
	v17 =	vand.u32 $0xFF, v19;
	v18 =	vand.u32 $0xFF, v63  }
.LBB2_1:
0x3f: {  	s19 =	simm.s32 $0x40  }
0x40: {  	[tilespmem:s19+$0xFFFFFFC0] =	vst v0  }
0x41: {  	[tilespmem:s19+$0x30] =	vst v0  }
0x42: {  	[tilespmem:s19+$0x20] =	vst v0  }
0x43: {  	[tilespmem:s19+$0x10] =	vst v0  }
0x44: {  	[tilespmem:s19+$0x0] =	vst v0  }
0x45: {  	[tilespmem:s19+$0xFFFFFFF0] =	vst v0  }
0x46: {  	s20 =	simm.s32 $0x0;
	[tilespmem:s19+$0xFFFFFFE0] =	vst v0  }
.LBB2_2:
0x47: {  	s20 =	sadd.s32 $0x8, s20;
	[tilespmem:s19+$0xFFFFFFD0] =	vst v0;
	s19 =	sadd.s32 $0x80, s19  }
0x48: {  	[tilespmem:s19+$0xFFFFFFC0] =	vst v0;
	p0 =	slt.u32 s20, $0x5F8  }
0x49: {  	[tilespmem:s19+$0x30] =	vst v0  }
.Ltmp0:
0x4a: {  	[tilespmem:s19+$0x20] =	vst v0;
	(pc) =	sbr.rel @p0 .LBB2_2-.Ltmp0, $4  }
0x4b: {  	[tilespmem:s19+$0x10] =	vst v0  }
0x4c: {  	[tilespmem:s19+$0x0] =	vst v0  }
0x4d: {  	[tilespmem:s19+$0xFFFFFFF0] =	vst v0  }
0x4e: {  	[tilespmem:s19+$0xFFFFFFE0] =	vst v0  }
0x4f: {  	[tilespmem:s19+$0xFFFFFFD0] =	vst v0;
	s19 =	simm.s32 $0x0;
	s20 =	simm.s32 $0x0  }
0x50: {  	[tilespmem:s10], [sflag:$0x1] =	stream.linear.gather [hbm4b:s6+s19], $0x8000, $0x38;
	[tilespmem:$0x16600] =	vst v63  }
.LBB2_4:
0x51: {  	p0 =	sgt.u32 s20, $0xB;
	s21 =	simm.s32 $0x1  }
0x52: {  	s22 =	sshrl.u32 s20, $0x2;
	s21 =	simm.s32 @!p0 $0x0  }
0x53: {  	p0 =	slt.u32 s20, $0xC;
	s23 =	sor.u32 s21, s5;
	s21 =	sadd.s32 $0xFFFFFFFD, s22  }
0x54: {  	s23 =	smul.u32 $0xC0000, s23;
	s21 =	smov.u32 @p0 s22  }
0x55: {  	s24 =	sshll.u32 s20, $0x10;
	s22 =	sshll.u32 s21, $0x12  }
0x56: {  	s28 =	sand.u32 $0x30000, s24;
	s22 =	sadd.s32 s22, s23  }
0x57: {  	s22 =	sor.u32 s22, s28  }
0x58: {  	s22 =	sor.u32 $0x8000, s22  }
0x59: {  	s22 =	sshrl.u32 s22, $0x3  }
0x5a: {  	s29 =	simm.s32 $0x0;
	s30 =	sand.u32 $0x2000, s19;
	s22 =	sadd.s32 s0, s22  }
0x5b: {  	[tilespmem:s12], [sflag:$0x2] =	stream.linear.gather [hbm4b:s22+s19], $0x8000, $0x38;
	[tilespmem:$0x16600] =	vst v63  }
0x5c: {  	s31 =	simm.s32 $0x0;
	s25 =	sand.u32 $0x800, s19;
	s22 =	sand.u32 $0x7000, s29  }
0x5d: {  	s24 =	sand.u32 $0x380, s31;
	_ =	swait.ge [sflag:s11], $0x8000;
	s22 =	sadd.s32 $0x6600, s22  }
0x5e: {  	s23 =	sshrl.u32 s30, $0x2;
	[sflag:s11] =	ssyncset.done $0x0;
	s25 =	sor.u32 s25, s22  }
0x5f: {  	s22 =	sor.u32 s23, s22;
	[sflag:s11] =	ssyncadd.s32 $0xFFFF8000;
	s25 =	sadd.s32 s24, s25  }
0x60: {  	s22 =	sadd.s32 s24, s22;
	v19 =	vld [tilespmem:s25+$0x470]  }
0x61: {  	v20 =	vld [tilespmem:s22+$0x0]  }
0x62: {  	v21 =	vld [tilespmem:s25+$0x10]  }
0x63: {  	v22 =	vld [tilespmem:s25+$0x20]  }
0x64: {  	v24 =	vld [tilespmem:s25+$0x40]  }
0x65: {  	v25 =	vld [tilespmem:s25+$0x50]  }
0x66: {  	v27 =	vld [tilespmem:s25+$0x70]  }
0x67: {  	v30 =	vld [tilespmem:s25+$0x420]  }
0x68: {  	v32 =	vld [tilespmem:s25+$0x440]  }
0x69: {  	v33 =	vld [tilespmem:s25+$0x450];
	v19 =	vmul.f32 $1.600000000e+01, v19  }
0x6a: {  	v20 =	vmul.f32 $1.600000000e+01, v20;
	v21 =	vmul.f32 $1.600000000e+01, v21  }
0x6b: {  	v22 =	vmul.f32 $1.600000000e+01, v22;
	v24 =	vmul.f32 $1.600000000e+01, v24  }
0x6c: {  	v25 =	vmul.f32 $1.600000000e+01, v25;
	v27 =	vmul.f32 $1.600000000e+01, v27  }
0x6d: {  	v30 =	vmul.f32 $1.600000000e+01, v30;
	v32 =	vmul.f32 $1.600000000e+01, v32  }
0x6e: {  	v33 =	vmul.f32 $1.600000000e+01, v33;
	v19 =	vtrunc.f32 v19  }
0x6f: {  	v23 =	vld [tilespmem:s25+$0x30];
	v20 =	vtrunc.f32 v20;
	v21 =	vtrunc.f32 v21  }
0x70: {  	v22 =	vtrunc.f32 v22;
	v24 =	vtrunc.f32 v24  }
0x71: {  	v25 =	vtrunc.f32 v25;
	v27 =	vtrunc.f32 v27  }
0x72: {  	v30 =	vtrunc.f32 v30;
	v32 =	vtrunc.f32 v32  }
0x73: {  	v26 =	vld [tilespmem:s25+$0x60];
	v33 =	vtrunc.f32 v33;
	v28 =	vcvt.f32.s32 v19  }
0x74: {  	v19 =	vmul.f32 $1.600000000e+01, v23;
	v20 =	vcvt.f32.s32 v20  }
0x75: {  	v29 =	vld [tilespmem:s25+$0x410];
	v21 =	vcvt.f32.s32 v21;
	v22 =	vcvt.f32.s32 v22  }
0x76: {  	v24 =	vcvt.f32.s32 v24;
	v25 =	vcvt.f32.s32 v25  }
0x77: {  	s26 =	simm.s32 $0x100;
	v27 =	vcvt.f32.s32 v27;
	v30 =	vcvt.f32.s32 v30  }
0x78: {  	s29 =	sand.u32 $0x7000, s26;
	v23 =	vld [tilespmem:s22+$0x400];
	s22 =	simm.s32 $0x800;
	v31 =	vtrunc.f32 v19;
	v19 =	vmul.f32 $1.600000000e+01, v26  }
0x79: {  	s30 =	simm.s32 $0x40;
	s24 =	sadd.s32 $0x6600, s29;
	v32 =	vcvt.f32.s32 v32;
	v33 =	vcvt.f32.s32 v33;
	s26 =	sand.u32 $0x800, s22;
	v26 =	vld [tilespmem:s25+$0x430]  }
0x7a: {  	s26 =	sor.u32 s26, s24;
	v34 =	vtrunc.f32 v19;
	v19 =	vmul.f32 $1.600000000e+01, v29;
	v29 =	vld [tilespmem:s25+$0x460];
	s25 =	sand.u32 $0x380, s30  }
0x7b: {  	v28 =	vand.u32 $0xFF0, v28;
	v20 =	vand.u32 $0xFF0, v20;
	v21 =	vand.u32 $0xFF0, v21;
	s31 =	sadd.s32 s25, s26  }
0x7c: {  	v22 =	vand.u32 $0xFF0, v22;
	v24 =	vand.u32 $0xFF0, v24;
	v25 =	vand.u32 $0xFF0, v25;
	v58 =	vld [tilespmem:s31+$0x470]  }
0x7d: {  	v27 =	vand.u32 $0xFF0, v27;
	v39 =	vand.u32 $0xFF0, v30;
	v31 =	vcvt.f32.s32 v31;
	v37 =	vld [tilespmem:s31+$0x10]  }
0x7e: {  	s21 =	sshll.u32 s21, $0xC;
	v40 =	vand.u32 $0xFF0, v32;
	v41 =	vand.u32 $0xFF0, v33;
	v23 =	vmul.f32 $1.600000000e+01, v23;
	v38 =	vld [tilespmem:s31+$0x20]  }
0x7f: {  	v31 =	vand.u32 $0xFF0, v31;
	v35 =	vtrunc.f32 v19;
	v19 =	vor.u32 s21, v1;
	v59 =	vld [tilespmem:s31+$0x40]  }
0x80: {  	v60 =	vld [tilespmem:s31+$0x50];
	v23 =	vtrunc.f32 v23;
	v26 =	vmul.f32 $1.600000000e+01, v26;
	v28 =	vor.u32 v19, v28  }
0x81: {  	s21 =	simm.s32 $0x2000;
	v43 =	vld [tilespmem:s31+$0x70];
	v57 =	vcvt.f32.s32 v35;
	v20 =	vor.u32 v19, v20;
	v29 =	vmul.f32 $1.600000000e+01, v29  }
0x82: {  	v46 =	vld [tilespmem:s31+$0x420];
	s28 =	sand.u32 $0x2000, s21;
	v21 =	vor.u32 v19, v21;
	v23 =	vcvt.f32.s32 v23;
	v26 =	vtrunc.f32 v26  }
0x83: {  	v51 =	vld [tilespmem:s31+$0x450];
	v22 =	vor.u32 v19, v22;
	s23 =	sshrl.u32 s28, $0x2;
	v26 =	vcvt.f32.s32 v26;
	v29 =	vtrunc.f32 v29  }
0x84: {  	v30 =	vld [tilespmem:s31+$0x30];
	v31 =	vor.u32 v19, v31;
	s24 =	sor.u32 s23, s24;
	v35 =	vmul.f32 $1.600000000e+01, v58;
	v61 =	vmul.f32 $1.600000000e+01, v37  }
0x85: {  	v45 =	vld [tilespmem:s31+$0x410];
	v48 =	vor.u32 v19, v24;
	s24 =	sadd.s32 s25, s24;
	v38 =	vmul.f32 $1.600000000e+01, v38;
	v32 =	vmul.f32 $1.600000000e+01, v59  }
0x86: {  	v54 =	vor.u32 v19, v27;
	v36 =	vld [tilespmem:s24+$0x0];
	v33 =	vmul.f32 $1.600000000e+01, v60;
	v24 =	vmul.f32 $1.600000000e+01, v43  }
0x87: {  	v23 =	vand.u32 $0xFF0, v23;
	v27 =	vmul.f32 $1.600000000e+01, v46;
	[tilespmem:v28+s4+$0x0] =	vst.idx.add.f32.msk $0xffff, v2;
	v28 =	vcvt.f32.s32 v34  }
0x88: {  	v60 =	vor.u32 v19, v23;
	v29 =	vcvt.f32.s32 v29;
	[tilespmem:v21+s4+$0x0] =	vst.idx.add.f32.msk $0xffff, v2;
	v21 =	vmul.f32 $1.600000000e+01, v51  }
0x89: {  	v63 =	vld [tilespmem:s31+$0x430];
	v34 =	vand.u32 $0xFF0, v57;
	v35 =	vtrunc.f32 v35;
	v38 =	vtrunc.f32 v38  }
0x8a: {  	v59 =	vld [tilespmem:s31+$0x460];
	v26 =	vand.u32 $0xFF0, v26;
	v49 =	vtrunc.f32 v32;
	v50 =	vtrunc.f32 v33  }
0x8b: {  	v57 =	vld [tilespmem:s31+$0x440];
	v32 =	vtrunc.f32 v27;
	v42 =	vand.u32 $0xFF0, v29;
	v29 =	vmul.f32 $1.600000000e+01, v36  }
0x8c: {  	[tilespmem:v22+s4+$0x0] =	vst.idx.add.f32.msk $0xffff, v2;
	v23 =	vor.u32 v19, v26;
	v35 =	vcvt.f32.s32 v35;
	v26 =	vtrunc.f32 v21  }
0x8d: {  	v22 =	vor.u32 v19, v40;
	v44 =	vtrunc.f32 v29;
	v29 =	vmul.f32 $1.600000000e+01, v30;
	v30 =	vld [tilespmem:s24+$0x400]  }
0x8e: {  	v28 =	vand.u32 $0xFF0, v28;
	v40 =	vcvt.f32.s32 v38;
	v38 =	vcvt.f32.s32 v49  }
0x8f: {  	v62 =	vld [tilespmem:s31+$0x60];
	v37 =	vcvt.f32.s32 v50;
	v52 =	vor.u32 v19, v28;
	v28 =	vmul.f32 $1.600000000e+01, v45  }
0x90: {  	v58 =	vor.u32 v19, v25;
	v36 =	vtrunc.f32 v61;
	v61 =	vmul.f32 $1.600000000e+01, v63  }
0x91: {  	[tilespmem:v20+s4+$0x0] =	vst.idx.add.f32.msk $0xffff, v2;
	v35 =	vand.u32 $0xFF0, v35;
	v27 =	vmul.f32 $1.600000000e+01, v59;
	v20 =	vmul.f32 $1.600000000e+01, v57  }
0x92: {  	[tilespmem:v31+s4+$0x0] =	vst.idx.add.f32.msk $0xffff, v2;
	v35 =	vor.u32 v19, v35;
	v63 =	vcvt.f32.s32 v36;
	v25 =	vmul.f32 $1.600000000e+01, v30  }
0x93: {  	[tilespmem:v48+s4+$0x0] =	vst.idx.add.f32.msk $0xffff, v2;
	v21 =	vor.u32 v19, v41;
	v27 =	vtrunc.f32 v27;
	v47 =	vtrunc.f32 v29  }
0x94: {  	[tilespmem:v54+s4+$0x0] =	vst.idx.add.f32.msk $0xffff, v2;
	v29 =	vmul.f32 $1.600000000e+01, v62;
	v33 =	vtrunc.f32 v25;
	v25 =	vor.u32 v19, v34  }
0x95: {  	[tilespmem:v58+s4+$0x0] =	vst.idx.add.f32.msk $0xffff, v2;
	v31 =	vtrunc.f32 v20;
	v30 =	vtrunc.f32 v24;
	v24 =	vor.u32 v19, v39  }
0x96: {  	[tilespmem:v60+s4+$0x0] =	vst.idx.add.f32.msk $0xffff, v2;
	v20 =	vor.u32 v19, v42;
	v62 =	vcvt.f32.s32 v44;
	v53 =	vtrunc.f32 v29  }
0x97: {  	[tilespmem:v35+s4+$0x0] =	vst.idx.add.f32.msk $0xffff, v2;
	v29 =	vtrunc.f32 v28;
	v28 =	vtrunc.f32 v61;
	v35 =	vand.u32 $0xFF0, v63  }
0x98: {  	s23 =	simm.s32 $0x10;
	[tilespmem:v52+s4+$0x0] =	vst.idx.add.f32.msk $0xffff, v2;
	v39 =	vcvt.f32.s32 v47;
	v36 =	vcvt.f32.s32 v53;
	v34 =	vand.u32 $0xFF0, v62  }
.LBB2_5:
0x99: {  	s23 =	sadd.s32 $0x10, s23;
	v40 =	vand.u32 $0xFF0, v40;
	v30 =	vcvt.f32.s32 v30;
	v33 =	vcvt.f32.s32 v33;
	s21 =	sadd.s32 $0x2000, s21;
	[tilespmem:v25+s4+$0x0] =	vst.idx.add.f32.msk $0xffff, v2  }
0x9a: {  	v25 =	vand.u32 $0xFF0, v39;
	v29 =	vcvt.f32.s32 v29;
	v32 =	vcvt.f32.s32 v32;
	s24 =	sshll.u32 s23, $0x4;
	s25 =	sand.u32 $0x2000, s21;
	p0 =	slt.u32 s23, $0x7F0;
	[tilespmem:v24+s4+$0x0] =	vst.idx.add.f32.msk $0xffff, v2  }
0x9b: {  	v28 =	vcvt.f32.s32 v28;
	v31 =	vcvt.f32.s32 v31;
	s22 =	sadd.s32 $0x800, s22;
	v24 =	vand.u32 $0xFF0, v38;
	s24 =	sand.u32 $0x7000, s24;
	s25 =	sshrl.u32 s25, $0x2;
	[tilespmem:v23+s4+$0x0] =	vst.idx.add.f32.msk $0xffff, v2  }
0x9c: {  	v26 =	vcvt.f32.s32 v26;
	v27 =	vcvt.f32.s32 v27;
	s26 =	sshll.u32 s23, $0x2;
	s28 =	sand.u32 $0x800, s22;
	v23 =	vand.u32 $0xFF0, v37;
	s24 =	sadd.s32 $0x6600, s24;
	[tilespmem:v22+s4+$0x0] =	vst.idx.add.f32.msk $0xffff, v2  }
0x9d: {  	s26 =	sand.u32 $0x380, s26;
	v30 =	vand.u32 $0xFF0, v30;
	v33 =	vand.u32 $0xFF0, v33;
	v22 =	vand.u32 $0xFF0, v36;
	s25 =	sor.u32 s25, s24;
	s24 =	sor.u32 s28, s24;
	[tilespmem:v21+s4+$0x0] =	vst.idx.add.f32.msk $0xffff, v2  }
0x9e: {  	v28 =	vand.u32 $0xFF0, v28;
	v21 =	vand.u32 $0xFF0, v29;
	v29 =	vand.u32 $0xFF0, v32;
	s25 =	sadd.s32 s26, s25;
	s24 =	sadd.s32 s26, s24;
	[tilespmem:v20+s4+$0x0] =	vst.idx.add.f32.msk $0xffff, v2  }
0x9f: {  	v31 =	vand.u32 $0xFF0, v31;
	v26 =	vand.u32 $0xFF0, v26;
	v27 =	vand.u32 $0xFF0, v27;
	v20 =	vld [tilespmem:s24+$0x470]  }
0xa0: {  	v34 =	vor.u32 v19, v34;
	v35 =	vor.u32 v19, v35;
	v36 =	vor.u32 v19, v40;
	v32 =	vld [tilespmem:s25+$0x0]  }
0xa1: {  	v38 =	vor.u32 v19, v25;
	v39 =	vor.u32 v19, v24;
	v40 =	vor.u32 v19, v23;
	v37 =	vld [tilespmem:s24+$0x10]  }
0xa2: {  	v43 =	vor.u32 v19, v30;
	v44 =	vor.u32 v19, v33;
	v42 =	vor.u32 v19, v22;
	v41 =	vld [tilespmem:s24+$0x20]  }
0xa3: {  	v23 =	vor.u32 v19, v28;
	v25 =	vor.u32 v19, v21;
	v24 =	vor.u32 v19, v29;
	v30 =	vld [tilespmem:s24+$0x30]  }
0xa4: {  	v22 =	vor.u32 v19, v31;
	v21 =	vor.u32 v19, v26;
	v28 =	vld [tilespmem:s24+$0x40];
	v29 =	vmul.f32 $1.600000000e+01, v20  }
0xa5: {  	v20 =	vor.u32 v19, v27;
	v26 =	vmul.f32 $1.600000000e+01, v32;
	v31 =	vld [tilespmem:s24+$0x50]  }
0xa6: {  	v27 =	vmul.f32 $1.600000000e+01, v37;
	v32 =	vld [tilespmem:s24+$0x60];
	v29 =	vtrunc.f32 v29  }
0xa7: {  	v33 =	vmul.f32 $1.600000000e+01, v41;
	v37 =	vld [tilespmem:s24+$0x70];
	v29 =	vcvt.f32.s32 v29  }
0xa8: {  	v41 =	vtrunc.f32 v26;
	v26 =	vmul.f32 $1.600000000e+01, v30;
	v30 =	vld [tilespmem:s25+$0x400]  }
0xa9: {  	v45 =	vtrunc.f32 v27;
	v27 =	vmul.f32 $1.600000000e+01, v28;
	v28 =	vld [tilespmem:s24+$0x410];
	v29 =	vand.u32 $0xFF0, v29  }
0xaa: {  	v46 =	vtrunc.f32 v33;
	v31 =	vmul.f32 $1.600000000e+01, v31;
	v33 =	vld [tilespmem:s24+$0x420];
	v29 =	vor.u32 v19, v29  }
0xab: {  	v47 =	vtrunc.f32 v26;
	v26 =	vmul.f32 $1.600000000e+01, v32;
	v32 =	vld [tilespmem:s24+$0x430]  }
0xac: {  	v48 =	vtrunc.f32 v27;
	v27 =	vmul.f32 $1.600000000e+01, v37;
	v37 =	vld [tilespmem:s24+$0x440]  }
0xad: {  	v49 =	vtrunc.f32 v31;
	v31 =	vmul.f32 $1.600000000e+01, v30;
	v50 =	vld [tilespmem:s24+$0x450]  }
0xae: {  	v51 =	vtrunc.f32 v26;
	v26 =	vmul.f32 $1.600000000e+01, v28;
	v52 =	vld [tilespmem:s24+$0x460]  }
0xaf: {  	v30 =	vtrunc.f32 v27;
	v27 =	vmul.f32 $1.600000000e+01, v33;
	[tilespmem:v29+s4+$0x0] =	vst.idx.add.f32.msk $0xffff, v2  }
0xb0: {  	v33 =	vtrunc.f32 v31;
	v28 =	vmul.f32 $1.600000000e+01, v32;
	[tilespmem:v34+s4+$0x0] =	vst.idx.add.f32.msk $0xffff, v2  }
0xb1: {  	v29 =	vtrunc.f32 v26;
	v26 =	vmul.f32 $1.600000000e+01, v37;
	[tilespmem:v35+s4+$0x0] =	vst.idx.add.f32.msk $0xffff, v2  }
0xb2: {  	v32 =	vtrunc.f32 v27;
	v27 =	vmul.f32 $1.600000000e+01, v50;
	[tilespmem:v36+s4+$0x0] =	vst.idx.add.f32.msk $0xffff, v2  }
0xb3: {  	v28 =	vtrunc.f32 v28;
	v34 =	vmul.f32 $1.600000000e+01, v52;
	[tilespmem:v38+s4+$0x0] =	vst.idx.add.f32.msk $0xffff, v2  }
.Ltmp1:
0xb4: {  	v31 =	vtrunc.f32 v26;
	v26 =	vtrunc.f32 v27;
	[tilespmem:v39+s4+$0x0] =	vst.idx.add.f32.msk $0xffff, v2;
	(pc) =	sbr.rel @p0 .LBB2_5-.Ltmp1, $4  }
0xb5: {  	v35 =	vcvt.f32.s32 v41;
	v27 =	vtrunc.f32 v34;
	[tilespmem:v40+s4+$0x0] =	vst.idx.add.f32.msk $0xffff, v2  }
0xb6: {  	v36 =	vcvt.f32.s32 v45;
	v40 =	vcvt.f32.s32 v46;
	[tilespmem:v42+s4+$0x0] =	vst.idx.add.f32.msk $0xffff, v2  }
0xb7: {  	v38 =	vcvt.f32.s32 v48;
	v39 =	vcvt.f32.s32 v47;
	v34 =	vand.u32 $0xFF0, v35;
	[tilespmem:v43+s4+$0x0] =	vst.idx.add.f32.msk $0xffff, v2  }
0xb8: {  	v37 =	vcvt.f32.s32 v49;
	v35 =	vand.u32 $0xFF0, v36;
	v36 =	vcvt.f32.s32 v51;
	[tilespmem:v44+s4+$0x0] =	vst.idx.add.f32.msk $0xffff, v2  }
0xb9: {  	_ =	sdelay $0x3  }
0xba: {  	[tilespmem:v25+s4+$0x0] =	vst.idx.add.f32.msk $0xffff, v2  }
0xbb: {  	[tilespmem:v24+s4+$0x0] =	vst.idx.add.f32.msk $0xffff, v2  }
0xbc: {  	v24 =	vor.u32 v19, v34;
	[tilespmem:v23+s4+$0x0] =	vst.idx.add.f32.msk $0xffff, v2  }
0xbd: {  	v25 =	vand.u32 $0xFF0, v40;
	v23 =	vor.u32 v19, v35;
	[tilespmem:v22+s4+$0x0] =	vst.idx.add.f32.msk $0xffff, v2  }
0xbe: {  	v52 =	vand.u32 $0xFF0, v39;
	[tilespmem:v21+s4+$0x0] =	vst.idx.add.f32.msk $0xffff, v2;
	v22 =	vor.u32 v19, v25;
	v25 =	vand.u32 $0xFF0, v38  }
0xbf: {  	[tilespmem:v20+s4+$0x0] =	vst.idx.add.f32.msk $0xffff, v2;
	v21 =	vor.u32 v19, v52;
	v20 =	vor.u32 v19, v25;
	v25 =	vcvt.f32.s32 v33  }
0xc0: {  	v30 =	vcvt.f32.s32 v30;
	v53 =	vand.u32 $0xFF0, v37  }
0xc1: {  	v54 =	vand.u32 $0xFF0, v36;
	v34 =	vor.u32 v19, v53;
	v25 =	vand.u32 $0xFF0, v25;
	[tilespmem:v24+s4+$0x0] =	vst.idx.add.f32.msk $0xffff, v2  }
0xc2: {  	p0 =	seq.s32 s20, $0x17;
	v24 =	vcvt.f32.s32 v29;
	v29 =	vand.u32 $0xFF0, v30;
	v30 =	vor.u32 v19, v54;
	[tilespmem:v23+s4+$0x0] =	vst.idx.add.f32.msk $0xffff, v2  }
0xc3: {  	s21 =	sshll.u32 @!p0 s20, $0x1;
	v23 =	vcvt.f32.s32 v32;
	v25 =	vor.u32 v19, v25;
	[tilespmem:v22+s4+$0x0] =	vst.idx.add.f32.msk $0xffff, v2  }
0xc4: {  	s21 =	sadd.s32 @!p0 $0x2, s21;
	v29 =	vor.u32 v19, v29;
	v22 =	vcvt.f32.s32 v28;
	[tilespmem:v21+s4+$0x0] =	vst.idx.add.f32.msk $0xffff, v2;
	v24 =	vand.u32 $0xFF0, v24  }
0xc5: {  	s22 =	smulhi.u32 @!p0 $0x2AAAAAAB, s21;
	s23 =	sshrl.u32 @!p0 s21, $0x3;
	v21 =	vcvt.f32.s32 v31;
	v23 =	vand.u32 $0xFF0, v23;
	[tilespmem:v20+s4+$0x0] =	vst.idx.add.f32.msk $0xffff, v2;
	v24 =	vor.u32 v19, v24  }
0xc6: {  	s24 =	smulhi.u32 @!p0 $0x55555556, s23;
	v20 =	vcvt.f32.s32 v26;
	[tilespmem:v34+s4+$0x0] =	vst.idx.add.f32.msk $0xffff, v2;
	v22 =	vand.u32 $0xFF0, v22;
	v23 =	vor.u32 v19, v23  }
0xc7: {  	v26 =	vcvt.f32.s32 v27;
	v21 =	vand.u32 $0xFF0, v21;
	v22 =	vor.u32 v19, v22;
	[tilespmem:v30+s4+$0x0] =	vst.idx.add.f32.msk $0xffff, v2  }
0xc8: {  	s22 =	sshrl.u32 @!p0 s22, $0x2;
	s24 =	smul.u32 @!p0 $0x3, s24;
	v20 =	vand.u32 $0xFF0, v20;
	v21 =	vor.u32 v19, v21;
	[tilespmem:v25+s4+$0x0] =	vst.idx.add.f32.msk $0xffff, v2  }
0xc9: {  	s22 =	sadd.s32 @!p0 s5, s22;
	v26 =	vand.u32 $0xFF0, v26;
	v20 =	vor.u32 v19, v20;
	[tilespmem:v29+s4+$0x0] =	vst.idx.add.f32.msk $0xffff, v2  }
0xca: {  	s22 =	smul.u32 @!p0 $0xC0000, s22;
	s23 =	ssub.s32 @!p0 s23, s24;
	v25 =	vor.u32 v19, v26;
	[tilespmem:v24+s4+$0x0] =	vst.idx.add.f32.msk $0xffff, v2  }
0xcb: {  	s21 =	sshll.u32 @!p0 s21, $0xF;
	s23 =	sshll.u32 @!p0 s23, $0x12;
	[tilespmem:v23+s4+$0x0] =	vst.idx.add.f32.msk $0xffff, v2  }
0xcc: {  	s21 =	sand.u32 @!p0 $0x30000, s21;
	s22 =	sadd.s32 @!p0 s23, s22;
	[tilespmem:v22+s4+$0x0] =	vst.idx.add.f32.msk $0xffff, v2  }
0xcd: {  	s21 =	sor.u32 @!p0 s21, s22;
	[tilespmem:v21+s4+$0x0] =	vst.idx.add.f32.msk $0xffff, v2  }
0xce: {  	s24 =	simm.s32 $0x0;
	s21 =	sshrl.u32 @!p0 s21, $0x3;
	[tilespmem:v20+s4+$0x0] =	vst.idx.add.f32.msk $0xffff, v2  }
0xcf: {  	s23 =	simm.s32 @!p0 $0x6600;
	s22 =	simm.s32 @!p0 $0x0;
	s21 =	sadd.s32 @!p0 s0, s21;
	[tilespmem:v25+s4+$0x0] =	vst.idx.add.f32.msk $0xffff, v2  }
0xd0: {  	[tilespmem:s23], [sflag:$0x1] =	stream.linear.gather @!p0 [hbm4b:s21+s22], $0x8000, $0x38;
	[tilespmem:$0x16600] =	vst v63  }
0xd1: {  	s26 =	simm.s32 $0x0;
	s23 =	simm.s32 $0x0;
	s22 =	sand.u32 $0x7000, s24  }
0xd2: {  	_ =	swait.ge [sflag:s13], $0x8000;
	s22 =	sadd.s32 $0xE600, s22;
	s21 =	sand.u32 $0x800, s23  }
0xd3: {  	s24 =	sand.u32 $0x380, s26;
	[sflag:s13] =	ssyncset.done $0x0;
	s21 =	sor.u32 s21, s22  }
0xd4: {  	[sflag:s13] =	ssyncadd.s32 $0xFFFF8000;
	s21 =	sadd.s32 s24, s21  }
0xd5: {  	v20 =	vld [tilespmem:s21+$0x470]  }
0xd6: {  	v22 =	vld [tilespmem:s21+$0x10]  }
0xd7: {  	v23 =	vld [tilespmem:s21+$0x20]  }
0xd8: {  	v24 =	vld [tilespmem:s21+$0x30]  }
0xd9: {  	v25 =	vld [tilespmem:s21+$0x40]  }
0xda: {  	v26 =	vld [tilespmem:s21+$0x50]  }
0xdb: {  	v27 =	vld [tilespmem:s21+$0x60]  }
0xdc: {  	v28 =	vld [tilespmem:s21+$0x70]  }
0xdd: {  	v30 =	vld [tilespmem:s21+$0x410]  }
0xde: {  	v31 =	vld [tilespmem:s21+$0x420]  }
0xdf: {  	s25 =	sand.u32 $0x2000, s23;
	v55 =	vld [tilespmem:s21+$0x430]  }
0xe0: {  	s23 =	sshrl.u32 s25, $0x2;
	v56 =	vld [tilespmem:s21+$0x440]  }
0xe1: {  	s22 =	sor.u32 s23, s22;
	v57 =	vld [tilespmem:s21+$0x450];
	v20 =	vmul.f32 $1.600000000e+01, v20  }
0xe2: {  	s22 =	sadd.s32 s24, s22;
	v58 =	vld [tilespmem:s21+$0x460];
	v22 =	vmul.f32 $1.600000000e+01, v22;
	v23 =	vmul.f32 $1.600000000e+01, v23  }
0xe3: {  	v21 =	vld [tilespmem:s22+$0x0];
	v24 =	vmul.f32 $1.600000000e+01, v24;
	v25 =	vmul.f32 $1.600000000e+01, v25  }
0xe4: {  	v29 =	vld [tilespmem:s22+$0x400];
	v26 =	vmul.f32 $1.600000000e+01, v26;
	v27 =	vmul.f32 $1.600000000e+01, v27  }
0xe5: {  	v28 =	vmul.f32 $1.600000000e+01, v28;
	v30 =	vmul.f32 $1.600000000e+01, v30  }
0xe6: {  	v31 =	vmul.f32 $1.600000000e+01, v31;
	v32 =	vmul.f32 $1.600000000e+01, v55  }
0xe7: {  	v33 =	vmul.f32 $1.600000000e+01, v56;
	v34 =	vmul.f32 $1.600000000e+01, v57  }
0xe8: {  	v35 =	vmul.f32 $1.600000000e+01, v58;
	v21 =	vmul.f32 $1.600000000e+01, v21  }
0xe9: {  	v29 =	vmul.f32 $1.600000000e+01, v29;
	v20 =	vtrunc.f32 v20  }
0xea: {  	v22 =	vtrunc.f32 v22;
	v23 =	vtrunc.f32 v23  }
0xeb: {  	s28 =	simm.s32 $0x100;
	v24 =	vtrunc.f32 v24;
	v25 =	vtrunc.f32 v25  }
0xec: {  	s30 =	sand.u32 $0x7000, s28;
	s21 =	simm.s32 $0x2000;
	v26 =	vtrunc.f32 v26;
	v27 =	vtrunc.f32 v27  }
0xed: {  	s25 =	simm.s32 $0x40;
	s29 =	sand.u32 $0x2000, s21;
	s22 =	simm.s32 $0x800;
	v28 =	vtrunc.f32 v28;
	v30 =	vtrunc.f32 v30  }
0xee: {  	s24 =	sadd.s32 $0xE600, s30;
	s26 =	sand.u32 $0x800, s22;
	s23 =	sshrl.u32 s29, $0x2;
	v31 =	vtrunc.f32 v31;
	v32 =	vtrunc.f32 v32  }
0xef: {  	s25 =	sand.u32 $0x380, s25;
	s26 =	sor.u32 s26, s24;
	s24 =	sor.u32 s23, s24;
	v33 =	vtrunc.f32 v33;
	v34 =	vtrunc.f32 v34  }
0xf0: {  	s24 =	sadd.s32 s25, s24;
	v35 =	vtrunc.f32 v35;
	v20 =	vcvt.f32.s32 v20  }
0xf1: {  	s31 =	sadd.s32 s25, s26;
	v59 =	vld [tilespmem:s24+$0x0];
	v21 =	vtrunc.f32 v21;
	v29 =	vtrunc.f32 v29  }
0xf2: {  	v60 =	vld [tilespmem:s31+$0x10];
	v22 =	vcvt.f32.s32 v22;
	v23 =	vcvt.f32.s32 v23  }
0xf3: {  	v61 =	vld [tilespmem:s31+$0x20];
	v24 =	vcvt.f32.s32 v24;
	v25 =	vcvt.f32.s32 v25  }
0xf4: {  	v56 =	vld [tilespmem:s31+$0x40];
	v26 =	vcvt.f32.s32 v26;
	v31 =	vcvt.f32.s32 v31  }
0xf5: {  	v41 =	vld [tilespmem:s31+$0x50];
	v32 =	vcvt.f32.s32 v32;
	v33 =	vcvt.f32.s32 v33  }
0xf6: {  	v42 =	vld [tilespmem:s31+$0x60];
	v34 =	vcvt.f32.s32 v34;
	v35 =	vcvt.f32.s32 v35  }
0xf7: {  	v43 =	vld [tilespmem:s31+$0x70];
	v21 =	vcvt.f32.s32 v21;
	v20 =	vand.u32 $0xFF0, v20;
	v22 =	vand.u32 $0xFF0, v22  }
0xf8: {  	v44 =	vld [tilespmem:s24+$0x400];
	v23 =	vand.u32 $0xFF0, v23;
	v24 =	vand.u32 $0xFF0, v24;
	v25 =	vand.u32 $0xFF0, v25  }
0xf9: {  	v26 =	vand.u32 $0xFF0, v26;
	v31 =	vand.u32 $0xFF0, v31;
	v36 =	vmul.f32 $1.600000000e+01, v59  }
0xfa: {  	v37 =	vmul.f32 $1.600000000e+01, v60;
	v38 =	vmul.f32 $1.600000000e+01, v61;
	v20 =	vor.u32 v19, v20  }
0xfb: {  	v63 =	vand.u32 $0xFF0, v32;
	v32 =	vmul.f32 $1.600000000e+01, v56;
	v41 =	vmul.f32 $1.600000000e+01, v41  }
0xfc: {  	v47 =	vor.u32 v19, v24;
	v24 =	vmul.f32 $1.600000000e+01, v42;
	v49 =	vor.u32 v19, v25  }
0xfd: {  	v45 =	vld [tilespmem:s31+$0x410];
	v25 =	vmul.f32 $1.600000000e+01, v43;
	v51 =	vor.u32 v19, v26;
	v26 =	vmul.f32 $1.600000000e+01, v44  }
0xfe: {  	v57 =	vld [tilespmem:s31+$0x430];
	v21 =	vand.u32 $0xFF0, v21;
	v36 =	vtrunc.f32 v36;
	v37 =	vtrunc.f32 v37  }
0xff: {  	v23 =	vor.u32 v19, v23;
	[tilespmem:v20+s4+$0x0] =	vst.idx.add.f32.msk $0xffff, v2;
	v20 =	vcvt.f32.s32 v27;
	v27 =	vcvt.f32.s32 v28  }
0x100: {  	v21 =	vor.u32 v19, v21;
	v28 =	vcvt.f32.s32 v29;
	v29 =	vcvt.f32.s32 v30;
	v30 =	vld [tilespmem:s31+$0x470]  }
0x101: {  	v33 =	vand.u32 $0xFF0, v33;
	v59 =	vld [tilespmem:s31+$0x450];
	v38 =	vtrunc.f32 v38;
	v50 =	vtrunc.f32 v32  }
0x102: {  	v46 =	vld [tilespmem:s31+$0x420];
	v34 =	vand.u32 $0xFF0, v34;
	v41 =	vtrunc.f32 v41;
	v53 =	vtrunc.f32 v24  }
0x103: {  	v58 =	vld [tilespmem:s31+$0x440];
	v35 =	vand.u32 $0xFF0, v35;
	v32 =	vtrunc.f32 v26;
	v26 =	vmul.f32 $1.600000000e+01, v57  }
0x104: {  	v22 =	vor.u32 v19, v22;
	v40 =	vcvt.f32.s32 v38;
	v38 =	vcvt.f32.s32 v50;
	[tilespmem:v23+s4+$0x0] =	vst.idx.add.f32.msk $0xffff, v2  }
0x105: {  	v23 =	vor.u32 v19, v63;
	v63 =	vcvt.f32.s32 v37;
	[tilespmem:v21+s4+$0x0] =	vst.idx.add.f32.msk $0xffff, v2;
	v30 =	vmul.f32 $1.600000000e+01, v30  }
0x106: {  	v37 =	vcvt.f32.s32 v41;
	v21 =	vmul.f32 $1.600000000e+01, v59;
	v62 =	vand.u32 $0xFF0, v29;
	v29 =	vld [tilespmem:s31+$0x30]  }
0x107: {  	v60 =	vld [tilespmem:s31+$0x460];
	v20 =	vand.u32 $0xFF0, v20;
	v27 =	vand.u32 $0xFF0, v27;
	v30 =	vtrunc.f32 v30  }
0x108: {  	v52 =	vor.u32 v19, v20;
	v20 =	vmul.f32 $1.600000000e+01, v45;
	v30 =	vcvt.f32.s32 v30  }
0x109: {  	v28 =	vand.u32 $0xFF0, v28;
	v54 =	vor.u32 v19, v27;
	v27 =	vmul.f32 $1.600000000e+01, v46  }
0x10a: {  	[tilespmem:v22+s4+$0x0] =	vst.idx.add.f32.msk $0xffff, v2;
	v61 =	vor.u32 v19, v28;
	v28 =	vtrunc.f32 v20;
	v30 =	vand.u32 $0xFF0, v30  }
0x10b: {  	[tilespmem:v47+s4+$0x0] =	vst.idx.add.f32.msk $0xffff, v2;
	v20 =	vmul.f32 $1.600000000e+01, v58;
	v29 =	vmul.f32 $1.600000000e+01, v29;
	v30 =	vor.u32 v19, v30  }
0x10c: {  	v24 =	vor.u32 v19, v31;
	[tilespmem:v49+s4+$0x0] =	vst.idx.add.f32.msk $0xffff, v2;
	v31 =	vtrunc.f32 v27;
	v27 =	vmul.f32 $1.600000000e+01, v60  }
0x10d: {  	[tilespmem:v51+s4+$0x0] =	vst.idx.add.f32.msk $0xffff, v2;
	v48 =	vtrunc.f32 v29;
	v29 =	vtrunc.f32 v25;
	v25 =	vor.u32 v19, v62  }
0x10e: {  	v22 =	vor.u32 v19, v33;
	v33 =	vtrunc.f32 v20;
	v27 =	vtrunc.f32 v27;
	[tilespmem:v52+s4+$0x0] =	vst.idx.add.f32.msk $0xffff, v2  }
0x10f: {  	v20 =	vor.u32 v19, v35;
	[tilespmem:v54+s4+$0x0] =	vst.idx.add.f32.msk $0xffff, v2;
	v62 =	vcvt.f32.s32 v36;
	v36 =	vcvt.f32.s32 v53  }
0x110: {  	v35 =	vand.u32 $0xFF0, v63;
	v39 =	vcvt.f32.s32 v48;
	[tilespmem:v30+s4+$0x0] =	vst.idx.add.f32.msk $0xffff, v2;
	v30 =	vtrunc.f32 v26  }
0x111: {  	s23 =	simm.s32 $0x10;
	[tilespmem:v61+s4+$0x0] =	vst.idx.add.f32.msk $0xffff, v2;
	v26 =	vtrunc.f32 v21;
	v21 =	vor.u32 v19, v34;
	v34 =	vand.u32 $0xFF0, v62  }
.LBB2_7:
0x112: {  	s23 =	sadd.s32 $0x10, s23;
	v40 =	vand.u32 $0xFF0, v40;
	v29 =	vcvt.f32.s32 v29;
	v32 =	vcvt.f32.s32 v32;
	s21 =	sadd.s32 $0x2000, s21;
	[tilespmem:v25+s4+$0x0] =	vst.idx.add.f32.msk $0xffff, v2  }
0x113: {  	v25 =	vand.u32 $0xFF0, v39;
	v28 =	vcvt.f32.s32 v28;
	v31 =	vcvt.f32.s32 v31;
	s24 =	sshll.u32 s23, $0x4;
	s25 =	sand.u32 $0x2000, s21;
	p0 =	slt.u32 s23, $0x7F0;
	[tilespmem:v24+s4+$0x0] =	vst.idx.add.f32.msk $0xffff, v2  }
0x114: {  	v30 =	vcvt.f32.s32 v30;
	v33 =	vcvt.f32.s32 v33;
	s22 =	sadd.s32 $0x800, s22;
	v24 =	vand.u32 $0xFF0, v38;
	s24 =	sand.u32 $0x7000, s24;
	s25 =	sshrl.u32 s25, $0x2;
	[tilespmem:v23+s4+$0x0] =	vst.idx.add.f32.msk $0xffff, v2  }
0x115: {  	v26 =	vcvt.f32.s32 v26;
	v27 =	vcvt.f32.s32 v27;
	s26 =	sshll.u32 s23, $0x2;
	s28 =	sand.u32 $0x800, s22;
	v23 =	vand.u32 $0xFF0, v37;
	s24 =	sadd.s32 $0xE600, s24;
	[tilespmem:v22+s4+$0x0] =	vst.idx.add.f32.msk $0xffff, v2  }
0x116: {  	s26 =	sand.u32 $0x380, s26;
	v29 =	vand.u32 $0xFF0, v29;
	v32 =	vand.u32 $0xFF0, v32;
	v22 =	vand.u32 $0xFF0, v36;
	s25 =	sor.u32 s25, s24;
	s24 =	sor.u32 s28, s24;
	[tilespmem:v21+s4+$0x0] =	vst.idx.add.f32.msk $0xffff, v2  }
0x117: {  	v30 =	vand.u32 $0xFF0, v30;
	v21 =	vand.u32 $0xFF0, v28;
	v28 =	vand.u32 $0xFF0, v31;
	s25 =	sadd.s32 s26, s25;
	s24 =	sadd.s32 s26, s24;
	[tilespmem:v20+s4+$0x0] =	vst.idx.add.f32.msk $0xffff, v2  }
0x118: {  	v26 =	vand.u32 $0xFF0, v26;
	v27 =	vand.u32 $0xFF0, v27;
	v31 =	vand.u32 $0xFF0, v33;
	v20 =	vld [tilespmem:s24+$0x470]  }
0x119: {  	v34 =	vor.u32 v19, v34;
	v35 =	vor.u32 v19, v35;
	v36 =	vor.u32 v19, v40;
	v33 =	vld [tilespmem:s25+$0x0]  }
0x11a: {  	v38 =	vor.u32 v19, v25;
	v39 =	vor.u32 v19, v24;
	v40 =	vor.u32 v19, v23;
	v37 =	vld [tilespmem:s24+$0x10]  }
0x11b: {  	v43 =	vor.u32 v19, v29;
	v44 =	vor.u32 v19, v32;
	v42 =	vor.u32 v19, v22;
	v41 =	vld [tilespmem:s24+$0x20]  }
0x11c: {  	v23 =	vor.u32 v19, v30;
	v25 =	vor.u32 v19, v21;
	v24 =	vor.u32 v19, v28;
	v29 =	vld [tilespmem:s24+$0x30]  }
0x11d: {  	v22 =	vor.u32 v19, v31;
	v21 =	vor.u32 v19, v26;
	v28 =	vld [tilespmem:s24+$0x40];
	v30 =	vmul.f32 $1.600000000e+01, v20  }
0x11e: {  	v20 =	vor.u32 v19, v27;
	v26 =	vmul.f32 $1.600000000e+01, v33;
	v31 =	vld [tilespmem:s24+$0x50]  }
0x11f: {  	v27 =	vmul.f32 $1.600000000e+01, v37;
	v32 =	vld [tilespmem:s24+$0x60];
	v30 =	vtrunc.f32 v30  }
0x120: {  	v33 =	vmul.f32 $1.600000000e+01, v41;
	v37 =	vld [tilespmem:s24+$0x70];
	v30 =	vcvt.f32.s32 v30  }
0x121: {  	v41 =	vtrunc.f32 v26;
	v26 =	vmul.f32 $1.600000000e+01, v29;
	v29 =	vld [tilespmem:s25+$0x400]  }
0x122: {  	v45 =	vtrunc.f32 v27;
	v27 =	vmul.f32 $1.600000000e+01, v28;
	v28 =	vld [tilespmem:s24+$0x410];
	v30 =	vand.u32 $0xFF0, v30  }
0x123: {  	v46 =	vtrunc.f32 v33;
	v31 =	vmul.f32 $1.600000000e+01, v31;
	v33 =	vld [tilespmem:s24+$0x420];
	v30 =	vor.u32 v19, v30  }
0x124: {  	v47 =	vtrunc.f32 v26;
	v26 =	vmul.f32 $1.600000000e+01, v32;
	v48 =	vld [tilespmem:s24+$0x430]  }
0x125: {  	v49 =	vtrunc.f32 v27;
	v27 =	vmul.f32 $1.600000000e+01, v37;
	v37 =	vld [tilespmem:s24+$0x440]  }
0x126: {  	v50 =	vtrunc.f32 v31;
	v31 =	vmul.f32 $1.600000000e+01, v29;
	v51 =	vld [tilespmem:s24+$0x450]  }
0x127: {  	v52 =	vtrunc.f32 v26;
	v26 =	vmul.f32 $1.600000000e+01, v28;
	v53 =	vld [tilespmem:s24+$0x460]  }
0x128: {  	v29 =	vtrunc.f32 v27;
	v27 =	vmul.f32 $1.600000000e+01, v33;
	[tilespmem:v30+s4+$0x0] =	vst.idx.add.f32.msk $0xffff, v2  }
0x129: {  	v32 =	vtrunc.f32 v31;
	v30 =	vmul.f32 $1.600000000e+01, v48;
	[tilespmem:v34+s4+$0x0] =	vst.idx.add.f32.msk $0xffff, v2  }
0x12a: {  	v28 =	vtrunc.f32 v26;
	v26 =	vmul.f32 $1.600000000e+01, v37;
	[tilespmem:v35+s4+$0x0] =	vst.idx.add.f32.msk $0xffff, v2  }
0x12b: {  	v31 =	vtrunc.f32 v27;
	v27 =	vmul.f32 $1.600000000e+01, v51;
	[tilespmem:v36+s4+$0x0] =	vst.idx.add.f32.msk $0xffff, v2  }
0x12c: {  	v30 =	vtrunc.f32 v30;
	v34 =	vmul.f32 $1.600000000e+01, v53;
	[tilespmem:v38+s4+$0x0] =	vst.idx.add.f32.msk $0xffff, v2  }
.Ltmp2:
0x12d: {  	v33 =	vtrunc.f32 v26;
	v26 =	vtrunc.f32 v27;
	[tilespmem:v39+s4+$0x0] =	vst.idx.add.f32.msk $0xffff, v2;
	(pc) =	sbr.rel @p0 .LBB2_7-.Ltmp2, $4  }
0x12e: {  	v35 =	vcvt.f32.s32 v41;
	v27 =	vtrunc.f32 v34;
	[tilespmem:v40+s4+$0x0] =	vst.idx.add.f32.msk $0xffff, v2  }
0x12f: {  	v36 =	vcvt.f32.s32 v45;
	v40 =	vcvt.f32.s32 v46;
	[tilespmem:v42+s4+$0x0] =	vst.idx.add.f32.msk $0xffff, v2  }
0x130: {  	v38 =	vcvt.f32.s32 v49;
	v39 =	vcvt.f32.s32 v47;
	v34 =	vand.u32 $0xFF0, v35;
	[tilespmem:v43+s4+$0x0] =	vst.idx.add.f32.msk $0xffff, v2  }
0x131: {  	v37 =	vcvt.f32.s32 v50;
	v35 =	vand.u32 $0xFF0, v36;
	v36 =	vcvt.f32.s32 v52;
	[tilespmem:v44+s4+$0x0] =	vst.idx.add.f32.msk $0xffff, v2  }
0x132: {  	_ =	sdelay $0x3  }
0x133: {  	[tilespmem:v25+s4+$0x0] =	vst.idx.add.f32.msk $0xffff, v2  }
0x134: {  	[tilespmem:v24+s4+$0x0] =	vst.idx.add.f32.msk $0xffff, v2;
	v47 =	vor.u32 v19, v34  }
0x135: {  	v48 =	vand.u32 $0xFF0, v40;
	[tilespmem:v23+s4+$0x0] =	vst.idx.add.f32.msk $0xffff, v2;
	v49 =	vor.u32 v19, v35  }
0x136: {  	v50 =	vand.u32 $0xFF0, v39;
	[tilespmem:v22+s4+$0x0] =	vst.idx.add.f32.msk $0xffff, v2;
	v51 =	vor.u32 v19, v48  }
0x137: {  	v52 =	vand.u32 $0xFF0, v38;
	[tilespmem:v21+s4+$0x0] =	vst.idx.add.f32.msk $0xffff, v2;
	v53 =	vor.u32 v19, v50  }
0x138: {  	v29 =	vcvt.f32.s32 v29;
	[tilespmem:v20+s4+$0x0] =	vst.idx.add.f32.msk $0xffff, v2;
	v54 =	vand.u32 $0xFF0, v37;
	v20 =	vor.u32 v19, v52  }
0x139: {  	v55 =	vcvt.f32.s32 v32;
	v56 =	vand.u32 $0xFF0, v36;
	v34 =	vor.u32 v19, v54;
	[tilespmem:v47+s4+$0x0] =	vst.idx.add.f32.msk $0xffff, v2  }
0x13a: {  	v57 =	vcvt.f32.s32 v28;
	v58 =	vand.u32 $0xFF0, v29;
	v59 =	vor.u32 v19, v56;
	[tilespmem:v49+s4+$0x0] =	vst.idx.add.f32.msk $0xffff, v2  }
0x13b: {  	v60 =	vcvt.f32.s32 v31;
	v25 =	vand.u32 $0xFF0, v55;
	v28 =	vor.u32 v19, v58;
	[tilespmem:v51+s4+$0x0] =	vst.idx.add.f32.msk $0xffff, v2  }
0x13c: {  	v61 =	vcvt.f32.s32 v30;
	v24 =	vand.u32 $0xFF0, v57;
	v25 =	vor.u32 v19, v25;
	[tilespmem:v53+s4+$0x0] =	vst.idx.add.f32.msk $0xffff, v2  }
0x13d: {  	v62 =	vcvt.f32.s32 v33;
	v23 =	vand.u32 $0xFF0, v60;
	v24 =	vor.u32 v19, v24;
	[tilespmem:v20+s4+$0x0] =	vst.idx.add.f32.msk $0xffff, v2  }
0x13e: {  	v22 =	vand.u32 $0xFF0, v61;
	v23 =	vor.u32 v19, v23;
	v20 =	vcvt.f32.s32 v26;
	[tilespmem:v34+s4+$0x0] =	vst.idx.add.f32.msk $0xffff, v2  }
0x13f: {  	v63 =	vcvt.f32.s32 v27;
	v21 =	vand.u32 $0xFF0, v62;
	v22 =	vor.u32 v19, v22;
	[tilespmem:v59+s4+$0x0] =	vst.idx.add.f32.msk $0xffff, v2  }
0x140: {  	v21 =	vor.u32 v19, v21;
	v20 =	vand.u32 $0xFF0, v20;
	[tilespmem:v28+s4+$0x0] =	vst.idx.add.f32.msk $0xffff, v2  }
0x141: {  	s20 =	sadd.s32 $0x1, s20;
	v26 =	vand.u32 $0xFF0, v63;
	[tilespmem:v25+s4+$0x0] =	vst.idx.add.f32.msk $0xffff, v2;
	v20 =	vor.u32 v19, v20  }
0x142: {  	p0 =	sne.s32 s20, $0x18;
	[tilespmem:v24+s4+$0x0] =	vst.idx.add.f32.msk $0xffff, v2;
	v19 =	vor.u32 v19, v26  }
.Ltmp3:
0x143: {  	[tilespmem:v23+s4+$0x0] =	vst.idx.add.f32.msk $0xffff, v2;
	(pc) =	sbr.rel @p0 .LBB2_4-.Ltmp3, $4  }
0x144: {  	[tilespmem:v22+s4+$0x0] =	vst.idx.add.f32.msk $0xffff, v2  }
0x145: {  	[tilespmem:v21+s4+$0x0] =	vst.idx.add.f32.msk $0xffff, v2  }
0x146: {  	[tilespmem:v20+s4+$0x0] =	vst.idx.add.f32.msk $0xffff, v2  }
0x147: {  	[tilespmem:v19+s4+$0x0] =	vst.idx.add.f32.msk $0xffff, v2  }
0x148: {  	s19 =	simm.s32 $0x0;
	s20 =	simm.s32 $0x0  }
0x149: {  	[tilespmem:s10], [sflag:$0x1] =	stream.linear.gather [hbm4b:s7+s19], $0x8000, $0x38;
	[tilespmem:$0x16600] =	vst v63  }
.LBB2_10:
0x14a: {  	p0 =	sgt.u32 s20, $0xB;
	s21 =	simm.s32 $0x1  }
0x14b: {  	s22 =	sshrl.u32 s20, $0x2;
	s21 =	simm.s32 @!p0 $0x0  }
0x14c: {  	p0 =	slt.u32 s20, $0xC;
	s23 =	sor.u32 s21, s5;
	s21 =	sadd.s32 $0xFFFFFFFD, s22  }
0x14d: {  	s23 =	smul.u32 $0xC0000, s23;
	s21 =	smov.u32 @p0 s22  }
0x14e: {  	s24 =	sshll.u32 s20, $0x10;
	s22 =	sshll.u32 s21, $0x12  }
0x14f: {  	s28 =	sand.u32 $0x30000, s24;
	s22 =	sadd.s32 s22, s23  }
0x150: {  	s22 =	sor.u32 s22, s28  }
0x151: {  	s22 =	sor.u32 $0x8000, s22  }
0x152: {  	s22 =	sshrl.u32 s22, $0x3  }
0x153: {  	s29 =	simm.s32 $0x0;
	s30 =	sand.u32 $0x2000, s19;
	s22 =	sadd.s32 s2, s22  }
0x154: {  	[tilespmem:s12], [sflag:$0x2] =	stream.linear.gather [hbm4b:s22+s19], $0x8000, $0x38;
	[tilespmem:$0x16600] =	vst v63  }
0x155: {  	s31 =	simm.s32 $0x0;
	s25 =	sand.u32 $0x800, s19;
	s22 =	sand.u32 $0x7000, s29  }
0x156: {  	s24 =	sand.u32 $0x380, s31;
	_ =	swait.ge [sflag:s11], $0x8000;
	s22 =	sadd.s32 $0x6600, s22  }
0x157: {  	s23 =	sshrl.u32 s30, $0x2;
	[sflag:s11] =	ssyncset.done $0x0;
	s25 =	sor.u32 s25, s22  }
0x158: {  	s22 =	sor.u32 s23, s22;
	[sflag:s11] =	ssyncadd.s32 $0xFFFF8000;
	s25 =	sadd.s32 s24, s25  }
0x159: {  	s22 =	sadd.s32 s24, s22;
	v19 =	vld [tilespmem:s25+$0x470]  }
0x15a: {  	v20 =	vld [tilespmem:s22+$0x0]  }
0x15b: {  	v21 =	vld [tilespmem:s25+$0x10]  }
0x15c: {  	v22 =	vld [tilespmem:s25+$0x20]  }
0x15d: {  	v24 =	vld [tilespmem:s25+$0x40]  }
0x15e: {  	v25 =	vld [tilespmem:s25+$0x50]  }
0x15f: {  	v27 =	vld [tilespmem:s25+$0x70]  }
0x160: {  	v30 =	vld [tilespmem:s25+$0x420]  }
0x161: {  	v32 =	vld [tilespmem:s25+$0x440]  }
0x162: {  	v33 =	vld [tilespmem:s25+$0x450];
	v19 =	vmul.f32 $1.600000000e+01, v19  }
0x163: {  	v20 =	vmul.f32 $1.600000000e+01, v20;
	v21 =	vmul.f32 $1.600000000e+01, v21  }
0x164: {  	v22 =	vmul.f32 $1.600000000e+01, v22;
	v24 =	vmul.f32 $1.600000000e+01, v24  }
0x165: {  	v25 =	vmul.f32 $1.600000000e+01, v25;
	v27 =	vmul.f32 $1.600000000e+01, v27  }
0x166: {  	v30 =	vmul.f32 $1.600000000e+01, v30;
	v32 =	vmul.f32 $1.600000000e+01, v32  }
0x167: {  	v33 =	vmul.f32 $1.600000000e+01, v33;
	v19 =	vtrunc.f32 v19  }
0x168: {  	v23 =	vld [tilespmem:s25+$0x30];
	v20 =	vtrunc.f32 v20;
	v21 =	vtrunc.f32 v21  }
0x169: {  	v22 =	vtrunc.f32 v22;
	v24 =	vtrunc.f32 v24  }
0x16a: {  	v25 =	vtrunc.f32 v25;
	v27 =	vtrunc.f32 v27  }
0x16b: {  	v30 =	vtrunc.f32 v30;
	v32 =	vtrunc.f32 v32  }
0x16c: {  	v26 =	vld [tilespmem:s25+$0x60];
	v33 =	vtrunc.f32 v33;
	v28 =	vcvt.f32.s32 v19  }
0x16d: {  	v19 =	vmul.f32 $1.600000000e+01, v23;
	v20 =	vcvt.f32.s32 v20  }
0x16e: {  	v29 =	vld [tilespmem:s25+$0x410];
	v21 =	vcvt.f32.s32 v21;
	v22 =	vcvt.f32.s32 v22  }
0x16f: {  	v24 =	vcvt.f32.s32 v24;
	v25 =	vcvt.f32.s32 v25  }
0x170: {  	s26 =	simm.s32 $0x100;
	v27 =	vcvt.f32.s32 v27;
	v30 =	vcvt.f32.s32 v30  }
0x171: {  	s29 =	sand.u32 $0x7000, s26;
	v23 =	vld [tilespmem:s22+$0x400];
	s22 =	simm.s32 $0x800;
	v31 =	vtrunc.f32 v19;
	v19 =	vmul.f32 $1.600000000e+01, v26  }
0x172: {  	s30 =	simm.s32 $0x40;
	s24 =	sadd.s32 $0x6600, s29;
	v32 =	vcvt.f32.s32 v32;
	v33 =	vcvt.f32.s32 v33;
	s26 =	sand.u32 $0x800, s22;
	v26 =	vld [tilespmem:s25+$0x430]  }
0x173: {  	s26 =	sor.u32 s26, s24;
	v34 =	vtrunc.f32 v19;
	v19 =	vmul.f32 $1.600000000e+01, v29;
	v29 =	vld [tilespmem:s25+$0x460];
	s25 =	sand.u32 $0x380, s30  }
0x174: {  	v28 =	vand.u32 $0xFF0, v28;
	v20 =	vand.u32 $0xFF0, v20;
	v21 =	vand.u32 $0xFF0, v21;
	s31 =	sadd.s32 s25, s26  }
0x175: {  	v22 =	vand.u32 $0xFF0, v22;
	v24 =	vand.u32 $0xFF0, v24;
	v25 =	vand.u32 $0xFF0, v25;
	v58 =	vld [tilespmem:s31+$0x470]  }
0x176: {  	s21 =	sshll.u32 s21, $0xC;
	v27 =	vand.u32 $0xFF0, v27;
	v39 =	vand.u32 $0xFF0, v30;
	v31 =	vcvt.f32.s32 v31;
	v37 =	vld [tilespmem:s31+$0x10]  }
0x177: {  	s21 =	sadd.s32 $0x3000, s21;
	v40 =	vand.u32 $0xFF0, v32;
	v41 =	vand.u32 $0xFF0, v33;
	v23 =	vmul.f32 $1.600000000e+01, v23;
	v38 =	vld [tilespmem:s31+$0x20]  }
0x178: {  	v31 =	vand.u32 $0xFF0, v31;
	v35 =	vtrunc.f32 v19;
	v19 =	vor.u32 s21, v1;
	v59 =	vld [tilespmem:s31+$0x40]  }
0x179: {  	v60 =	vld [tilespmem:s31+$0x50];
	v23 =	vtrunc.f32 v23;
	v26 =	vmul.f32 $1.600000000e+01, v26;
	v28 =	vor.u32 v19, v28  }
0x17a: {  	s21 =	simm.s32 $0x2000;
	v43 =	vld [tilespmem:s31+$0x70];
	v57 =	vcvt.f32.s32 v35;
	v20 =	vor.u32 v19, v20;
	v29 =	vmul.f32 $1.600000000e+01, v29  }
0x17b: {  	v46 =	vld [tilespmem:s31+$0x420];
	s28 =	sand.u32 $0x2000, s21;
	v21 =	vor.u32 v19, v21;
	v23 =	vcvt.f32.s32 v23;
	v26 =	vtrunc.f32 v26  }
0x17c: {  	v51 =	vld [tilespmem:s31+$0x450];
	v22 =	vor.u32 v19, v22;
	s23 =	sshrl.u32 s28, $0x2;
	v26 =	vcvt.f32.s32 v26;
	v29 =	vtrunc.f32 v29  }
0x17d: {  	v30 =	vld [tilespmem:s31+$0x30];
	v31 =	vor.u32 v19, v31;
	s24 =	sor.u32 s23, s24;
	v35 =	vmul.f32 $1.600000000e+01, v58;
	v61 =	vmul.f32 $1.600000000e+01, v37  }
0x17e: {  	v45 =	vld [tilespmem:s31+$0x410];
	v48 =	vor.u32 v19, v24;
	s24 =	sadd.s32 s25, s24;
	v38 =	vmul.f32 $1.600000000e+01, v38;
	v32 =	vmul.f32 $1.600000000e+01, v59  }
0x17f: {  	v54 =	vor.u32 v19, v27;
	v36 =	vld [tilespmem:s24+$0x0];
	v33 =	vmul.f32 $1.600000000e+01, v60;
	v24 =	vmul.f32 $1.600000000e+01, v43  }
0x180: {  	v23 =	vand.u32 $0xFF0, v23;
	v27 =	vmul.f32 $1.600000000e+01, v46;
	[tilespmem:v28+s4+$0x0] =	vst.idx.add.f32.msk $0xffff, v2;
	v28 =	vcvt.f32.s32 v34  }
0x181: {  	v60 =	vor.u32 v19, v23;
	v29 =	vcvt.f32.s32 v29;
	[tilespmem:v21+s4+$0x0] =	vst.idx.add.f32.msk $0xffff, v2;
	v21 =	vmul.f32 $1.600000000e+01, v51  }
0x182: {  	v63 =	vld [tilespmem:s31+$0x430];
	v34 =	vand.u32 $0xFF0, v57;
	v35 =	vtrunc.f32 v35;
	v38 =	vtrunc.f32 v38  }
0x183: {  	v59 =	vld [tilespmem:s31+$0x460];
	v26 =	vand.u32 $0xFF0, v26;
	v49 =	vtrunc.f32 v32;
	v50 =	vtrunc.f32 v33  }
0x184: {  	v57 =	vld [tilespmem:s31+$0x440];
	v32 =	vtrunc.f32 v27;
	v42 =	vand.u32 $0xFF0, v29;
	v29 =	vmul.f32 $1.600000000e+01, v36  }
0x185: {  	[tilespmem:v22+s4+$0x0] =	vst.idx.add.f32.msk $0xffff, v2;
	v23 =	vor.u32 v19, v26;
	v35 =	vcvt.f32.s32 v35;
	v26 =	vtrunc.f32 v21  }
0x186: {  	v22 =	vor.u32 v19, v40;
	v44 =	vtrunc.f32 v29;
	v29 =	vmul.f32 $1.600000000e+01, v30;
	v30 =	vld [tilespmem:s24+$0x400]  }
0x187: {  	v28 =	vand.u32 $0xFF0, v28;
	v40 =	vcvt.f32.s32 v38;
	v38 =	vcvt.f32.s32 v49  }
0x188: {  	v62 =	vld [tilespmem:s31+$0x60];
	v37 =	vcvt.f32.s32 v50;
	v52 =	vor.u32 v19, v28;
	v28 =	vmul.f32 $1.600000000e+01, v45  }
0x189: {  	v58 =	vor.u32 v19, v25;
	v36 =	vtrunc.f32 v61;
	v61 =	vmul.f32 $1.600000000e+01, v63  }
0x18a: {  	[tilespmem:v20+s4+$0x0] =	vst.idx.add.f32.msk $0xffff, v2;
	v35 =	vand.u32 $0xFF0, v35;
	v27 =	vmul.f32 $1.600000000e+01, v59;
	v20 =	vmul.f32 $1.600000000e+01, v57  }
0x18b: {  	[tilespmem:v31+s4+$0x0] =	vst.idx.add.f32.msk $0xffff, v2;
	v35 =	vor.u32 v19, v35;
	v63 =	vcvt.f32.s32 v36;
	v25 =	vmul.f32 $1.600000000e+01, v30  }
0x18c: {  	[tilespmem:v48+s4+$0x0] =	vst.idx.add.f32.msk $0xffff, v2;
	v21 =	vor.u32 v19, v41;
	v27 =	vtrunc.f32 v27;
	v47 =	vtrunc.f32 v29  }
0x18d: {  	[tilespmem:v54+s4+$0x0] =	vst.idx.add.f32.msk $0xffff, v2;
	v29 =	vmul.f32 $1.600000000e+01, v62;
	v33 =	vtrunc.f32 v25;
	v25 =	vor.u32 v19, v34  }
0x18e: {  	[tilespmem:v58+s4+$0x0] =	vst.idx.add.f32.msk $0xffff, v2;
	v31 =	vtrunc.f32 v20;
	v30 =	vtrunc.f32 v24;
	v24 =	vor.u32 v19, v39  }
0x18f: {  	[tilespmem:v60+s4+$0x0] =	vst.idx.add.f32.msk $0xffff, v2;
	v20 =	vor.u32 v19, v42;
	v62 =	vcvt.f32.s32 v44;
	v53 =	vtrunc.f32 v29  }
0x190: {  	[tilespmem:v35+s4+$0x0] =	vst.idx.add.f32.msk $0xffff, v2;
	v29 =	vtrunc.f32 v28;
	v28 =	vtrunc.f32 v61;
	v35 =	vand.u32 $0xFF0, v63  }
0x191: {  	s23 =	simm.s32 $0x10;
	[tilespmem:v52+s4+$0x0] =	vst.idx.add.f32.msk $0xffff, v2;
	v39 =	vcvt.f32.s32 v47;
	v36 =	vcvt.f32.s32 v53;
	v34 =	vand.u32 $0xFF0, v62  }
.LBB2_11:
0x192: {  	s23 =	sadd.s32 $0x10, s23;
	v40 =	vand.u32 $0xFF0, v40;
	v30 =	vcvt.f32.s32 v30;
	v33 =	vcvt.f32.s32 v33;
	s21 =	sadd.s32 $0x2000, s21;
	[tilespmem:v25+s4+$0x0] =	vst.idx.add.f32.msk $0xffff, v2  }
0x193: {  	v25 =	vand.u32 $0xFF0, v39;
	v29 =	vcvt.f32.s32 v29;
	v32 =	vcvt.f32.s32 v32;
	s24 =	sshll.u32 s23, $0x4;
	s25 =	sand.u32 $0x2000, s21;
	p0 =	slt.u32 s23, $0x7F0;
	[tilespmem:v24+s4+$0x0] =	vst.idx.add.f32.msk $0xffff, v2  }
0x194: {  	v28 =	vcvt.f32.s32 v28;
	v31 =	vcvt.f32.s32 v31;
	s22 =	sadd.s32 $0x800, s22;
	v24 =	vand.u32 $0xFF0, v38;
	s24 =	sand.u32 $0x7000, s24;
	s25 =	sshrl.u32 s25, $0x2;
	[tilespmem:v23+s4+$0x0] =	vst.idx.add.f32.msk $0xffff, v2  }
0x195: {  	v26 =	vcvt.f32.s32 v26;
	v27 =	vcvt.f32.s32 v27;
	s26 =	sshll.u32 s23, $0x2;
	s28 =	sand.u32 $0x800, s22;
	v23 =	vand.u32 $0xFF0, v37;
	s24 =	sadd.s32 $0x6600, s24;
	[tilespmem:v22+s4+$0x0] =	vst.idx.add.f32.msk $0xffff, v2  }
0x196: {  	s26 =	sand.u32 $0x380, s26;
	v30 =	vand.u32 $0xFF0, v30;
	v33 =	vand.u32 $0xFF0, v33;
	v22 =	vand.u32 $0xFF0, v36;
	s25 =	sor.u32 s25, s24;
	s24 =	sor.u32 s28, s24;
	[tilespmem:v21+s4+$0x0] =	vst.idx.add.f32.msk $0xffff, v2  }
0x197: {  	v28 =	vand.u32 $0xFF0, v28;
	v21 =	vand.u32 $0xFF0, v29;
	v29 =	vand.u32 $0xFF0, v32;
	s25 =	sadd.s32 s26, s25;
	s24 =	sadd.s32 s26, s24;
	[tilespmem:v20+s4+$0x0] =	vst.idx.add.f32.msk $0xffff, v2  }
0x198: {  	v31 =	vand.u32 $0xFF0, v31;
	v26 =	vand.u32 $0xFF0, v26;
	v27 =	vand.u32 $0xFF0, v27;
	v20 =	vld [tilespmem:s24+$0x470]  }
0x199: {  	v34 =	vor.u32 v19, v34;
	v35 =	vor.u32 v19, v35;
	v36 =	vor.u32 v19, v40;
	v32 =	vld [tilespmem:s25+$0x0]  }
0x19a: {  	v38 =	vor.u32 v19, v25;
	v39 =	vor.u32 v19, v24;
	v40 =	vor.u32 v19, v23;
	v37 =	vld [tilespmem:s24+$0x10]  }
0x19b: {  	v43 =	vor.u32 v19, v30;
	v44 =	vor.u32 v19, v33;
	v42 =	vor.u32 v19, v22;
	v41 =	vld [tilespmem:s24+$0x20]  }
0x19c: {  	v23 =	vor.u32 v19, v28;
	v25 =	vor.u32 v19, v21;
	v24 =	vor.u32 v19, v29;
	v30 =	vld [tilespmem:s24+$0x30]  }
0x19d: {  	v22 =	vor.u32 v19, v31;
	v21 =	vor.u32 v19, v26;
	v28 =	vld [tilespmem:s24+$0x40];
	v29 =	vmul.f32 $1.600000000e+01, v20  }
0x19e: {  	v20 =	vor.u32 v19, v27;
	v26 =	vmul.f32 $1.600000000e+01, v32;
	v31 =	vld [tilespmem:s24+$0x50]  }
0x19f: {  	v27 =	vmul.f32 $1.600000000e+01, v37;
	v32 =	vld [tilespmem:s24+$0x60];
	v29 =	vtrunc.f32 v29  }
0x1a0: {  	v33 =	vmul.f32 $1.600000000e+01, v41;
	v37 =	vld [tilespmem:s24+$0x70];
	v29 =	vcvt.f32.s32 v29  }
0x1a1: {  	v41 =	vtrunc.f32 v26;
	v26 =	vmul.f32 $1.600000000e+01, v30;
	v30 =	vld [tilespmem:s25+$0x400]  }
0x1a2: {  	v45 =	vtrunc.f32 v27;
	v27 =	vmul.f32 $1.600000000e+01, v28;
	v28 =	vld [tilespmem:s24+$0x410];
	v29 =	vand.u32 $0xFF0, v29  }
0x1a3: {  	v46 =	vtrunc.f32 v33;
	v31 =	vmul.f32 $1.600000000e+01, v31;
	v33 =	vld [tilespmem:s24+$0x420];
	v29 =	vor.u32 v19, v29  }
0x1a4: {  	v47 =	vtrunc.f32 v26;
	v26 =	vmul.f32 $1.600000000e+01, v32;
	v32 =	vld [tilespmem:s24+$0x430]  }
0x1a5: {  	v48 =	vtrunc.f32 v27;
	v27 =	vmul.f32 $1.600000000e+01, v37;
	v37 =	vld [tilespmem:s24+$0x440]  }
0x1a6: {  	v49 =	vtrunc.f32 v31;
	v31 =	vmul.f32 $1.600000000e+01, v30;
	v50 =	vld [tilespmem:s24+$0x450]  }
0x1a7: {  	v51 =	vtrunc.f32 v26;
	v26 =	vmul.f32 $1.600000000e+01, v28;
	v52 =	vld [tilespmem:s24+$0x460]  }
0x1a8: {  	v30 =	vtrunc.f32 v27;
	v27 =	vmul.f32 $1.600000000e+01, v33;
	[tilespmem:v29+s4+$0x0] =	vst.idx.add.f32.msk $0xffff, v2  }
0x1a9: {  	v33 =	vtrunc.f32 v31;
	v28 =	vmul.f32 $1.600000000e+01, v32;
	[tilespmem:v34+s4+$0x0] =	vst.idx.add.f32.msk $0xffff, v2  }
0x1aa: {  	v29 =	vtrunc.f32 v26;
	v26 =	vmul.f32 $1.600000000e+01, v37;
	[tilespmem:v35+s4+$0x0] =	vst.idx.add.f32.msk $0xffff, v2  }
0x1ab: {  	v32 =	vtrunc.f32 v27;
	v27 =	vmul.f32 $1.600000000e+01, v50;
	[tilespmem:v36+s4+$0x0] =	vst.idx.add.f32.msk $0xffff, v2  }
0x1ac: {  	v28 =	vtrunc.f32 v28;
	v34 =	vmul.f32 $1.600000000e+01, v52;
	[tilespmem:v38+s4+$0x0] =	vst.idx.add.f32.msk $0xffff, v2  }
.Ltmp4:
0x1ad: {  	v31 =	vtrunc.f32 v26;
	v26 =	vtrunc.f32 v27;
	[tilespmem:v39+s4+$0x0] =	vst.idx.add.f32.msk $0xffff, v2;
	(pc) =	sbr.rel @p0 .LBB2_11-.Ltmp4, $4  }
0x1ae: {  	v35 =	vcvt.f32.s32 v41;
	v27 =	vtrunc.f32 v34;
	[tilespmem:v40+s4+$0x0] =	vst.idx.add.f32.msk $0xffff, v2  }
0x1af: {  	v36 =	vcvt.f32.s32 v45;
	v40 =	vcvt.f32.s32 v46;
	[tilespmem:v42+s4+$0x0] =	vst.idx.add.f32.msk $0xffff, v2  }
0x1b0: {  	v38 =	vcvt.f32.s32 v48;
	v39 =	vcvt.f32.s32 v47;
	v34 =	vand.u32 $0xFF0, v35;
	[tilespmem:v43+s4+$0x0] =	vst.idx.add.f32.msk $0xffff, v2  }
0x1b1: {  	v37 =	vcvt.f32.s32 v49;
	v35 =	vand.u32 $0xFF0, v36;
	v36 =	vcvt.f32.s32 v51;
	[tilespmem:v44+s4+$0x0] =	vst.idx.add.f32.msk $0xffff, v2  }
0x1b2: {  	_ =	sdelay $0x3  }
0x1b3: {  	[tilespmem:v25+s4+$0x0] =	vst.idx.add.f32.msk $0xffff, v2  }
0x1b4: {  	[tilespmem:v24+s4+$0x0] =	vst.idx.add.f32.msk $0xffff, v2  }
0x1b5: {  	v24 =	vor.u32 v19, v34;
	[tilespmem:v23+s4+$0x0] =	vst.idx.add.f32.msk $0xffff, v2  }
0x1b6: {  	v25 =	vand.u32 $0xFF0, v40;
	v23 =	vor.u32 v19, v35;
	[tilespmem:v22+s4+$0x0] =	vst.idx.add.f32.msk $0xffff, v2  }
0x1b7: {  	v52 =	vand.u32 $0xFF0, v39;
	[tilespmem:v21+s4+$0x0] =	vst.idx.add.f32.msk $0xffff, v2;
	v22 =	vor.u32 v19, v25;
	v25 =	vand.u32 $0xFF0, v38  }
0x1b8: {  	[tilespmem:v20+s4+$0x0] =	vst.idx.add.f32.msk $0xffff, v2;
	v21 =	vor.u32 v19, v52;
	v20 =	vor.u32 v19, v25;
	v25 =	vcvt.f32.s32 v33  }
0x1b9: {  	v30 =	vcvt.f32.s32 v30;
	v53 =	vand.u32 $0xFF0, v37  }
0x1ba: {  	v54 =	vand.u32 $0xFF0, v36;
	v34 =	vor.u32 v19, v53;
	v25 =	vand.u32 $0xFF0, v25;
	[tilespmem:v24+s4+$0x0] =	vst.idx.add.f32.msk $0xffff, v2  }
0x1bb: {  	p0 =	seq.s32 s20, $0x17;
	v24 =	vcvt.f32.s32 v29;
	v29 =	vand.u32 $0xFF0, v30;
	v30 =	vor.u32 v19, v54;
	[tilespmem:v23+s4+$0x0] =	vst.idx.add.f32.msk $0xffff, v2  }
0x1bc: {  	s21 =	sshll.u32 @!p0 s20, $0x1;
	v23 =	vcvt.f32.s32 v32;
	v25 =	vor.u32 v19, v25;
	[tilespmem:v22+s4+$0x0] =	vst.idx.add.f32.msk $0xffff, v2  }
0x1bd: {  	s21 =	sadd.s32 @!p0 $0x2, s21;
	v29 =	vor.u32 v19, v29;
	v22 =	vcvt.f32.s32 v28;
	[tilespmem:v21+s4+$0x0] =	vst.idx.add.f32.msk $0xffff, v2;
	v24 =	vand.u32 $0xFF0, v24  }
0x1be: {  	s22 =	smulhi.u32 @!p0 $0x2AAAAAAB, s21;
	s23 =	sshrl.u32 @!p0 s21, $0x3;
	v21 =	vcvt.f32.s32 v31;
	v23 =	vand.u32 $0xFF0, v23;
	[tilespmem:v20+s4+$0x0] =	vst.idx.add.f32.msk $0xffff, v2;
	v24 =	vor.u32 v19, v24  }
0x1bf: {  	s24 =	smulhi.u32 @!p0 $0x55555556, s23;
	v20 =	vcvt.f32.s32 v26;
	[tilespmem:v34+s4+$0x0] =	vst.idx.add.f32.msk $0xffff, v2;
	v22 =	vand.u32 $0xFF0, v22;
	v23 =	vor.u32 v19, v23  }
0x1c0: {  	v26 =	vcvt.f32.s32 v27;
	v21 =	vand.u32 $0xFF0, v21;
	v22 =	vor.u32 v19, v22;
	[tilespmem:v30+s4+$0x0] =	vst.idx.add.f32.msk $0xffff, v2  }
0x1c1: {  	s22 =	sshrl.u32 @!p0 s22, $0x2;
	s24 =	smul.u32 @!p0 $0x3, s24;
	v20 =	vand.u32 $0xFF0, v20;
	v21 =	vor.u32 v19, v21;
	[tilespmem:v25+s4+$0x0] =	vst.idx.add.f32.msk $0xffff, v2  }
0x1c2: {  	s22 =	sadd.s32 @!p0 s5, s22;
	v26 =	vand.u32 $0xFF0, v26;
	v20 =	vor.u32 v19, v20;
	[tilespmem:v29+s4+$0x0] =	vst.idx.add.f32.msk $0xffff, v2  }
0x1c3: {  	s22 =	smul.u32 @!p0 $0xC0000, s22;
	s23 =	ssub.s32 @!p0 s23, s24;
	v25 =	vor.u32 v19, v26;
	[tilespmem:v24+s4+$0x0] =	vst.idx.add.f32.msk $0xffff, v2  }
0x1c4: {  	s21 =	sshll.u32 @!p0 s21, $0xF;
	s23 =	sshll.u32 @!p0 s23, $0x12;
	[tilespmem:v23+s4+$0x0] =	vst.idx.add.f32.msk $0xffff, v2  }
0x1c5: {  	s21 =	sand.u32 @!p0 $0x30000, s21;
	s22 =	sadd.s32 @!p0 s23, s22;
	[tilespmem:v22+s4+$0x0] =	vst.idx.add.f32.msk $0xffff, v2  }
0x1c6: {  	s21 =	sor.u32 @!p0 s21, s22;
	[tilespmem:v21+s4+$0x0] =	vst.idx.add.f32.msk $0xffff, v2  }
0x1c7: {  	s24 =	simm.s32 $0x0;
	s21 =	sshrl.u32 @!p0 s21, $0x3;
	[tilespmem:v20+s4+$0x0] =	vst.idx.add.f32.msk $0xffff, v2  }
0x1c8: {  	s23 =	simm.s32 @!p0 $0x6600;
	s22 =	simm.s32 @!p0 $0x0;
	s21 =	sadd.s32 @!p0 s2, s21;
	[tilespmem:v25+s4+$0x0] =	vst.idx.add.f32.msk $0xffff, v2  }
0x1c9: {  	[tilespmem:s23], [sflag:$0x1] =	stream.linear.gather @!p0 [hbm4b:s21+s22], $0x8000, $0x38;
	[tilespmem:$0x16600] =	vst v63  }
0x1ca: {  	s26 =	simm.s32 $0x0;
	s23 =	simm.s32 $0x0;
	s22 =	sand.u32 $0x7000, s24  }
0x1cb: {  	_ =	swait.ge [sflag:s13], $0x8000;
	s22 =	sadd.s32 $0xE600, s22;
	s21 =	sand.u32 $0x800, s23  }
0x1cc: {  	s24 =	sand.u32 $0x380, s26;
	[sflag:s13] =	ssyncset.done $0x0;
	s21 =	sor.u32 s21, s22  }
0x1cd: {  	[sflag:s13] =	ssyncadd.s32 $0xFFFF8000;
	s21 =	sadd.s32 s24, s21  }
0x1ce: {  	v20 =	vld [tilespmem:s21+$0x470]  }
0x1cf: {  	v22 =	vld [tilespmem:s21+$0x10]  }
0x1d0: {  	v23 =	vld [tilespmem:s21+$0x20]  }
0x1d1: {  	v24 =	vld [tilespmem:s21+$0x30]  }
0x1d2: {  	v25 =	vld [tilespmem:s21+$0x40]  }
0x1d3: {  	v26 =	vld [tilespmem:s21+$0x50]  }
0x1d4: {  	v27 =	vld [tilespmem:s21+$0x60]  }
0x1d5: {  	v28 =	vld [tilespmem:s21+$0x70]  }
0x1d6: {  	v30 =	vld [tilespmem:s21+$0x410]  }
0x1d7: {  	v31 =	vld [tilespmem:s21+$0x420]  }
0x1d8: {  	s25 =	sand.u32 $0x2000, s23;
	v55 =	vld [tilespmem:s21+$0x430]  }
0x1d9: {  	s23 =	sshrl.u32 s25, $0x2;
	v56 =	vld [tilespmem:s21+$0x440]  }
0x1da: {  	s22 =	sor.u32 s23, s22;
	v57 =	vld [tilespmem:s21+$0x450];
	v20 =	vmul.f32 $1.600000000e+01, v20  }
0x1db: {  	s22 =	sadd.s32 s24, s22;
	v58 =	vld [tilespmem:s21+$0x460];
	v22 =	vmul.f32 $1.600000000e+01, v22;
	v23 =	vmul.f32 $1.600000000e+01, v23  }
0x1dc: {  	v21 =	vld [tilespmem:s22+$0x0];
	v24 =	vmul.f32 $1.600000000e+01, v24;
	v25 =	vmul.f32 $1.600000000e+01, v25  }
0x1dd: {  	v29 =	vld [tilespmem:s22+$0x400];
	v26 =	vmul.f32 $1.600000000e+01, v26;
	v27 =	vmul.f32 $1.600000000e+01, v27  }
0x1de: {  	v28 =	vmul.f32 $1.600000000e+01, v28;
	v30 =	vmul.f32 $1.600000000e+01, v30  }
0x1df: {  	v31 =	vmul.f32 $1.600000000e+01, v31;
	v32 =	vmul.f32 $1.600000000e+01, v55  }
0x1e0: {  	v33 =	vmul.f32 $1.600000000e+01, v56;
	v34 =	vmul.f32 $1.600000000e+01, v57  }
0x1e1: {  	v35 =	vmul.f32 $1.600000000e+01, v58;
	v21 =	vmul.f32 $1.600000000e+01, v21  }
0x1e2: {  	v29 =	vmul.f32 $1.600000000e+01, v29;
	v20 =	vtrunc.f32 v20  }
0x1e3: {  	v22 =	vtrunc.f32 v22;
	v23 =	vtrunc.f32 v23  }
0x1e4: {  	s28 =	simm.s32 $0x100;
	v24 =	vtrunc.f32 v24;
	v25 =	vtrunc.f32 v25  }
0x1e5: {  	s30 =	sand.u32 $0x7000, s28;
	s21 =	simm.s32 $0x2000;
	v26 =	vtrunc.f32 v26;
	v27 =	vtrunc.f32 v27  }
0x1e6: {  	s25 =	simm.s32 $0x40;
	s29 =	sand.u32 $0x2000, s21;
	s22 =	simm.s32 $0x800;
	v28 =	vtrunc.f32 v28;
	v30 =	vtrunc.f32 v30  }
0x1e7: {  	s24 =	sadd.s32 $0xE600, s30;
	s26 =	sand.u32 $0x800, s22;
	s23 =	sshrl.u32 s29, $0x2;
	v31 =	vtrunc.f32 v31;
	v32 =	vtrunc.f32 v32  }
0x1e8: {  	s25 =	sand.u32 $0x380, s25;
	s26 =	sor.u32 s26, s24;
	s24 =	sor.u32 s23, s24;
	v33 =	vtrunc.f32 v33;
	v34 =	vtrunc.f32 v34  }
0x1e9: {  	s24 =	sadd.s32 s25, s24;
	v35 =	vtrunc.f32 v35;
	v20 =	vcvt.f32.s32 v20  }
0x1ea: {  	s31 =	sadd.s32 s25, s26;
	v59 =	vld [tilespmem:s24+$0x0];
	v21 =	vtrunc.f32 v21;
	v29 =	vtrunc.f32 v29  }
0x1eb: {  	v60 =	vld [tilespmem:s31+$0x10];
	v22 =	vcvt.f32.s32 v22;
	v23 =	vcvt.f32.s32 v23  }
0x1ec: {  	v61 =	vld [tilespmem:s31+$0x20];
	v24 =	vcvt.f32.s32 v24;
	v25 =	vcvt.f32.s32 v25  }
0x1ed: {  	v56 =	vld [tilespmem:s31+$0x40];
	v26 =	vcvt.f32.s32 v26;
	v31 =	vcvt.f32.s32 v31  }
0x1ee: {  	v41 =	vld [tilespmem:s31+$0x50];
	v32 =	vcvt.f32.s32 v32;
	v33 =	vcvt.f32.s32 v33  }
0x1ef: {  	v42 =	vld [tilespmem:s31+$0x60];
	v34 =	vcvt.f32.s32 v34;
	v35 =	vcvt.f32.s32 v35  }
0x1f0: {  	v43 =	vld [tilespmem:s31+$0x70];
	v21 =	vcvt.f32.s32 v21;
	v20 =	vand.u32 $0xFF0, v20;
	v22 =	vand.u32 $0xFF0, v22  }
0x1f1: {  	v44 =	vld [tilespmem:s24+$0x400];
	v23 =	vand.u32 $0xFF0, v23;
	v24 =	vand.u32 $0xFF0, v24;
	v25 =	vand.u32 $0xFF0, v25  }
0x1f2: {  	v26 =	vand.u32 $0xFF0, v26;
	v31 =	vand.u32 $0xFF0, v31;
	v36 =	vmul.f32 $1.600000000e+01, v59  }
0x1f3: {  	v37 =	vmul.f32 $1.600000000e+01, v60;
	v38 =	vmul.f32 $1.600000000e+01, v61;
	v20 =	vor.u32 v19, v20  }
0x1f4: {  	v63 =	vand.u32 $0xFF0, v32;
	v32 =	vmul.f32 $1.600000000e+01, v56;
	v41 =	vmul.f32 $1.600000000e+01, v41  }
0x1f5: {  	v47 =	vor.u32 v19, v24;
	v24 =	vmul.f32 $1.600000000e+01, v42;
	v49 =	vor.u32 v19, v25  }
0x1f6: {  	v45 =	vld [tilespmem:s31+$0x410];
	v25 =	vmul.f32 $1.600000000e+01, v43;
	v51 =	vor.u32 v19, v26;
	v26 =	vmul.f32 $1.600000000e+01, v44  }
0x1f7: {  	v57 =	vld [tilespmem:s31+$0x430];
	v21 =	vand.u32 $0xFF0, v21;
	v36 =	vtrunc.f32 v36;
	v37 =	vtrunc.f32 v37  }
0x1f8: {  	v23 =	vor.u32 v19, v23;
	[tilespmem:v20+s4+$0x0] =	vst.idx.add.f32.msk $0xffff, v2;
	v20 =	vcvt.f32.s32 v27;
	v27 =	vcvt.f32.s32 v28  }
0x1f9: {  	v21 =	vor.u32 v19, v21;
	v28 =	vcvt.f32.s32 v29;
	v29 =	vcvt.f32.s32 v30;
	v30 =	vld [tilespmem:s31+$0x470]  }
0x1fa: {  	v33 =	vand.u32 $0xFF0, v33;
	v59 =	vld [tilespmem:s31+$0x450];
	v38 =	vtrunc.f32 v38;
	v50 =	vtrunc.f32 v32  }
0x1fb: {  	v46 =	vld [tilespmem:s31+$0x420];
	v34 =	vand.u32 $0xFF0, v34;
	v41 =	vtrunc.f32 v41;
	v53 =	vtrunc.f32 v24  }
0x1fc: {  	v58 =	vld [tilespmem:s31+$0x440];
	v35 =	vand.u32 $0xFF0, v35;
	v32 =	vtrunc.f32 v26;
	v26 =	vmul.f32 $1.600000000e+01, v57  }
0x1fd: {  	v22 =	vor.u32 v19, v22;
	v40 =	vcvt.f32.s32 v38;
	v38 =	vcvt.f32.s32 v50;
	[tilespmem:v23+s4+$0x0] =	vst.idx.add.f32.msk $0xffff, v2  }
0x1fe: {  	v23 =	vor.u32 v19, v63;
	v63 =	vcvt.f32.s32 v37;
	[tilespmem:v21+s4+$0x0] =	vst.idx.add.f32.msk $0xffff, v2;
	v30 =	vmul.f32 $1.600000000e+01, v30  }
0x1ff: {  	v37 =	vcvt.f32.s32 v41;
	v21 =	vmul.f32 $1.600000000e+01, v59;
	v62 =	vand.u32 $0xFF0, v29;
	v29 =	vld [tilespmem:s31+$0x30]  }
0x200: {  	v60 =	vld [tilespmem:s31+$0x460];
	v20 =	vand.u32 $0xFF0, v20;
	v27 =	vand.u32 $0xFF0, v27;
	v30 =	vtrunc.f32 v30  }
0x201: {  	v52 =	vor.u32 v19, v20;
	v20 =	vmul.f32 $1.600000000e+01, v45;
	v30 =	vcvt.f32.s32 v30  }
0x202: {  	v28 =	vand.u32 $0xFF0, v28;
	v54 =	vor.u32 v19, v27;
	v27 =	vmul.f32 $1.600000000e+01, v46  }
0x203: {  	[tilespmem:v22+s4+$0x0] =	vst.idx.add.f32.msk $0xffff, v2;
	v61 =	vor.u32 v19, v28;
	v28 =	vtrunc.f32 v20;
	v30 =	vand.u32 $0xFF0, v30  }
0x204: {  	[tilespmem:v47+s4+$0x0] =	vst.idx.add.f32.msk $0xffff, v2;
	v20 =	vmul.f32 $1.600000000e+01, v58;
	v29 =	vmul.f32 $1.600000000e+01, v29;
	v30 =	vor.u32 v19, v30  }
0x205: {  	v24 =	vor.u32 v19, v31;
	[tilespmem:v49+s4+$0x0] =	vst.idx.add.f32.msk $0xffff, v2;
	v31 =	vtrunc.f32 v27;
	v27 =	vmul.f32 $1.600000000e+01, v60  }
0x206: {  	[tilespmem:v51+s4+$0x0] =	vst.idx.add.f32.msk $0xffff, v2;
	v48 =	vtrunc.f32 v29;
	v29 =	vtrunc.f32 v25;
	v25 =	vor.u32 v19, v62  }
0x207: {  	v22 =	vor.u32 v19, v33;
	v33 =	vtrunc.f32 v20;
	v27 =	vtrunc.f32 v27;
	[tilespmem:v52+s4+$0x0] =	vst.idx.add.f32.msk $0xffff, v2  }
0x208: {  	v20 =	vor.u32 v19, v35;
	[tilespmem:v54+s4+$0x0] =	vst.idx.add.f32.msk $0xffff, v2;
	v62 =	vcvt.f32.s32 v36;
	v36 =	vcvt.f32.s32 v53  }
0x209: {  	v35 =	vand.u32 $0xFF0, v63;
	v39 =	vcvt.f32.s32 v48;
	[tilespmem:v30+s4+$0x0] =	vst.idx.add.f32.msk $0xffff, v2;
	v30 =	vtrunc.f32 v26  }
0x20a: {  	s23 =	simm.s32 $0x10;
	[tilespmem:v61+s4+$0x0] =	vst.idx.add.f32.msk $0xffff, v2;
	v26 =	vtrunc.f32 v21;
	v21 =	vor.u32 v19, v34;
	v34 =	vand.u32 $0xFF0, v62  }
.LBB2_13:
0x20b: {  	s23 =	sadd.s32 $0x10, s23;
	v40 =	vand.u32 $0xFF0, v40;
	v29 =	vcvt.f32.s32 v29;
	v32 =	vcvt.f32.s32 v32;
	s21 =	sadd.s32 $0x2000, s21;
	[tilespmem:v25+s4+$0x0] =	vst.idx.add.f32.msk $0xffff, v2  }
0x20c: {  	v25 =	vand.u32 $0xFF0, v39;
	v28 =	vcvt.f32.s32 v28;
	v31 =	vcvt.f32.s32 v31;
	s24 =	sshll.u32 s23, $0x4;
	s25 =	sand.u32 $0x2000, s21;
	p0 =	slt.u32 s23, $0x7F0;
	[tilespmem:v24+s4+$0x0] =	vst.idx.add.f32.msk $0xffff, v2  }
0x20d: {  	v30 =	vcvt.f32.s32 v30;
	v33 =	vcvt.f32.s32 v33;
	s22 =	sadd.s32 $0x800, s22;
	v24 =	vand.u32 $0xFF0, v38;
	s24 =	sand.u32 $0x7000, s24;
	s25 =	sshrl.u32 s25, $0x2;
	[tilespmem:v23+s4+$0x0] =	vst.idx.add.f32.msk $0xffff, v2  }
0x20e: {  	v26 =	vcvt.f32.s32 v26;
	v27 =	vcvt.f32.s32 v27;
	s26 =	sshll.u32 s23, $0x2;
	s28 =	sand.u32 $0x800, s22;
	v23 =	vand.u32 $0xFF0, v37;
	s24 =	sadd.s32 $0xE600, s24;
	[tilespmem:v22+s4+$0x0] =	vst.idx.add.f32.msk $0xffff, v2  }
0x20f: {  	s26 =	sand.u32 $0x380, s26;
	v29 =	vand.u32 $0xFF0, v29;
	v32 =	vand.u32 $0xFF0, v32;
	v22 =	vand.u32 $0xFF0, v36;
	s25 =	sor.u32 s25, s24;
	s24 =	sor.u32 s28, s24;
	[tilespmem:v21+s4+$0x0] =	vst.idx.add.f32.msk $0xffff, v2  }
0x210: {  	v30 =	vand.u32 $0xFF0, v30;
	v21 =	vand.u32 $0xFF0, v28;
	v28 =	vand.u32 $0xFF0, v31;
	s25 =	sadd.s32 s26, s25;
	s24 =	sadd.s32 s26, s24;
	[tilespmem:v20+s4+$0x0] =	vst.idx.add.f32.msk $0xffff, v2  }
0x211: {  	v26 =	vand.u32 $0xFF0, v26;
	v27 =	vand.u32 $0xFF0, v27;
	v31 =	vand.u32 $0xFF0, v33;
	v20 =	vld [tilespmem:s24+$0x470]  }
0x212: {  	v34 =	vor.u32 v19, v34;
	v35 =	vor.u32 v19, v35;
	v36 =	vor.u32 v19, v40;
	v33 =	vld [tilespmem:s25+$0x0]  }
0x213: {  	v38 =	vor.u32 v19, v25;
	v39 =	vor.u32 v19, v24;
	v40 =	vor.u32 v19, v23;
	v37 =	vld [tilespmem:s24+$0x10]  }
0x214: {  	v43 =	vor.u32 v19, v29;
	v44 =	vor.u32 v19, v32;
	v42 =	vor.u32 v19, v22;
	v41 =	vld [tilespmem:s24+$0x20]  }
0x215: {  	v23 =	vor.u32 v19, v30;
	v25 =	vor.u32 v19, v21;
	v24 =	vor.u32 v19, v28;
	v29 =	vld [tilespmem:s24+$0x30]  }
0x216: {  	v22 =	vor.u32 v19, v31;
	v21 =	vor.u32 v19, v26;
	v28 =	vld [tilespmem:s24+$0x40];
	v30 =	vmul.f32 $1.600000000e+01, v20  }
0x217: {  	v20 =	vor.u32 v19, v27;
	v26 =	vmul.f32 $1.600000000e+01, v33;
	v31 =	vld [tilespmem:s24+$0x50]  }
0x218: {  	v27 =	vmul.f32 $1.600000000e+01, v37;
	v32 =	vld [tilespmem:s24+$0x60];
	v30 =	vtrunc.f32 v30  }
0x219: {  	v33 =	vmul.f32 $1.600000000e+01, v41;
	v37 =	vld [tilespmem:s24+$0x70];
	v30 =	vcvt.f32.s32 v30  }
0x21a: {  	v41 =	vtrunc.f32 v26;
	v26 =	vmul.f32 $1.600000000e+01, v29;
	v29 =	vld [tilespmem:s25+$0x400]  }
0x21b: {  	v45 =	vtrunc.f32 v27;
	v27 =	vmul.f32 $1.600000000e+01, v28;
	v28 =	vld [tilespmem:s24+$0x410];
	v30 =	vand.u32 $0xFF0, v30  }
0x21c: {  	v46 =	vtrunc.f32 v33;
	v31 =	vmul.f32 $1.600000000e+01, v31;
	v33 =	vld [tilespmem:s24+$0x420];
	v30 =	vor.u32 v19, v30  }
0x21d: {  	v47 =	vtrunc.f32 v26;
	v26 =	vmul.f32 $1.600000000e+01, v32;
	v48 =	vld [tilespmem:s24+$0x430]  }
0x21e: {  	v49 =	vtrunc.f32 v27;
	v27 =	vmul.f32 $1.600000000e+01, v37;
	v37 =	vld [tilespmem:s24+$0x440]  }
0x21f: {  	v50 =	vtrunc.f32 v31;
	v31 =	vmul.f32 $1.600000000e+01, v29;
	v51 =	vld [tilespmem:s24+$0x450]  }
0x220: {  	v52 =	vtrunc.f32 v26;
	v26 =	vmul.f32 $1.600000000e+01, v28;
	v53 =	vld [tilespmem:s24+$0x460]  }
0x221: {  	v29 =	vtrunc.f32 v27;
	v27 =	vmul.f32 $1.600000000e+01, v33;
	[tilespmem:v30+s4+$0x0] =	vst.idx.add.f32.msk $0xffff, v2  }
0x222: {  	v32 =	vtrunc.f32 v31;
	v30 =	vmul.f32 $1.600000000e+01, v48;
	[tilespmem:v34+s4+$0x0] =	vst.idx.add.f32.msk $0xffff, v2  }
0x223: {  	v28 =	vtrunc.f32 v26;
	v26 =	vmul.f32 $1.600000000e+01, v37;
	[tilespmem:v35+s4+$0x0] =	vst.idx.add.f32.msk $0xffff, v2  }
0x224: {  	v31 =	vtrunc.f32 v27;
	v27 =	vmul.f32 $1.600000000e+01, v51;
	[tilespmem:v36+s4+$0x0] =	vst.idx.add.f32.msk $0xffff, v2  }
0x225: {  	v30 =	vtrunc.f32 v30;
	v34 =	vmul.f32 $1.600000000e+01, v53;
	[tilespmem:v38+s4+$0x0] =	vst.idx.add.f32.msk $0xffff, v2  }
.Ltmp5:
0x226: {  	v33 =	vtrunc.f32 v26;
	v26 =	vtrunc.f32 v27;
	[tilespmem:v39+s4+$0x0] =	vst.idx.add.f32.msk $0xffff, v2;
	(pc) =	sbr.rel @p0 .LBB2_13-.Ltmp5, $4  }
0x227: {  	v35 =	vcvt.f32.s32 v41;
	v27 =	vtrunc.f32 v34;
	[tilespmem:v40+s4+$0x0] =	vst.idx.add.f32.msk $0xffff, v2  }
0x228: {  	v36 =	vcvt.f32.s32 v45;
	v40 =	vcvt.f32.s32 v46;
	[tilespmem:v42+s4+$0x0] =	vst.idx.add.f32.msk $0xffff, v2  }
0x229: {  	v38 =	vcvt.f32.s32 v49;
	v39 =	vcvt.f32.s32 v47;
	v34 =	vand.u32 $0xFF0, v35;
	[tilespmem:v43+s4+$0x0] =	vst.idx.add.f32.msk $0xffff, v2  }
0x22a: {  	v37 =	vcvt.f32.s32 v50;
	v35 =	vand.u32 $0xFF0, v36;
	v36 =	vcvt.f32.s32 v52;
	[tilespmem:v44+s4+$0x0] =	vst.idx.add.f32.msk $0xffff, v2  }
0x22b: {  	_ =	sdelay $0x3  }
0x22c: {  	[tilespmem:v25+s4+$0x0] =	vst.idx.add.f32.msk $0xffff, v2  }
0x22d: {  	[tilespmem:v24+s4+$0x0] =	vst.idx.add.f32.msk $0xffff, v2;
	v47 =	vor.u32 v19, v34  }
0x22e: {  	v48 =	vand.u32 $0xFF0, v40;
	[tilespmem:v23+s4+$0x0] =	vst.idx.add.f32.msk $0xffff, v2;
	v49 =	vor.u32 v19, v35  }
0x22f: {  	v50 =	vand.u32 $0xFF0, v39;
	[tilespmem:v22+s4+$0x0] =	vst.idx.add.f32.msk $0xffff, v2;
	v51 =	vor.u32 v19, v48  }
0x230: {  	v52 =	vand.u32 $0xFF0, v38;
	[tilespmem:v21+s4+$0x0] =	vst.idx.add.f32.msk $0xffff, v2;
	v53 =	vor.u32 v19, v50  }
0x231: {  	v29 =	vcvt.f32.s32 v29;
	[tilespmem:v20+s4+$0x0] =	vst.idx.add.f32.msk $0xffff, v2;
	v54 =	vand.u32 $0xFF0, v37;
	v20 =	vor.u32 v19, v52  }
0x232: {  	v55 =	vcvt.f32.s32 v32;
	v56 =	vand.u32 $0xFF0, v36;
	v34 =	vor.u32 v19, v54;
	[tilespmem:v47+s4+$0x0] =	vst.idx.add.f32.msk $0xffff, v2  }
0x233: {  	v57 =	vcvt.f32.s32 v28;
	v58 =	vand.u32 $0xFF0, v29;
	v59 =	vor.u32 v19, v56;
	[tilespmem:v49+s4+$0x0] =	vst.idx.add.f32.msk $0xffff, v2  }
0x234: {  	v60 =	vcvt.f32.s32 v31;
	v25 =	vand.u32 $0xFF0, v55;
	v28 =	vor.u32 v19, v58;
	[tilespmem:v51+s4+$0x0] =	vst.idx.add.f32.msk $0xffff, v2  }
0x235: {  	v61 =	vcvt.f32.s32 v30;
	v24 =	vand.u32 $0xFF0, v57;
	v25 =	vor.u32 v19, v25;
	[tilespmem:v53+s4+$0x0] =	vst.idx.add.f32.msk $0xffff, v2  }
0x236: {  	v62 =	vcvt.f32.s32 v33;
	v23 =	vand.u32 $0xFF0, v60;
	v24 =	vor.u32 v19, v24;
	[tilespmem:v20+s4+$0x0] =	vst.idx.add.f32.msk $0xffff, v2  }
0x237: {  	v22 =	vand.u32 $0xFF0, v61;
	v23 =	vor.u32 v19, v23;
	v20 =	vcvt.f32.s32 v26;
	[tilespmem:v34+s4+$0x0] =	vst.idx.add.f32.msk $0xffff, v2  }
0x238: {  	v63 =	vcvt.f32.s32 v27;
	v21 =	vand.u32 $0xFF0, v62;
	v22 =	vor.u32 v19, v22;
	[tilespmem:v59+s4+$0x0] =	vst.idx.add.f32.msk $0xffff, v2  }
0x239: {  	v21 =	vor.u32 v19, v21;
	v20 =	vand.u32 $0xFF0, v20;
	[tilespmem:v28+s4+$0x0] =	vst.idx.add.f32.msk $0xffff, v2  }
0x23a: {  	s20 =	sadd.s32 $0x1, s20;
	v26 =	vand.u32 $0xFF0, v63;
	[tilespmem:v25+s4+$0x0] =	vst.idx.add.f32.msk $0xffff, v2;
	v20 =	vor.u32 v19, v20  }
0x23b: {  	p0 =	sne.s32 s20, $0x18;
	[tilespmem:v24+s4+$0x0] =	vst.idx.add.f32.msk $0xffff, v2;
	v19 =	vor.u32 v19, v26  }
.Ltmp6:
0x23c: {  	[tilespmem:v23+s4+$0x0] =	vst.idx.add.f32.msk $0xffff, v2;
	(pc) =	sbr.rel @p0 .LBB2_10-.Ltmp6, $4  }
0x23d: {  	[tilespmem:v22+s4+$0x0] =	vst.idx.add.f32.msk $0xffff, v2  }
0x23e: {  	[tilespmem:v21+s4+$0x0] =	vst.idx.add.f32.msk $0xffff, v2  }
0x23f: {  	[tilespmem:v20+s4+$0x0] =	vst.idx.add.f32.msk $0xffff, v2  }
0x240: {  	[tilespmem:v19+s4+$0x0] =	vst.idx.add.f32.msk $0xffff, v2  }
0x241: {  	s19 =	simm.s32 $0x0  }
0x242: {  	v19 =	vor.u32 s19, v3;
	_ =	sdelay $0x1  }
0x243: {  	v20 =	vor.u32 s19, v4;
	_ =	sdelay $0x1  }
0x244: {  	v21 =	vor.u32 s19, v5  }
0x245: {  	v19 =	vld.idx.msk [tilespmem:v19+s4+$0x0], $0xffff  }
0x246: {  	v22 =	vor.u32 s19, v6  }
0x247: {  	v23 =	vor.u32 s19, v7;
	v20 =	vld.idx.msk [tilespmem:v20+s4+$0x0], $0xffff  }
0x248: {  	v24 =	vor.u32 s19, v8  }
0x249: {  	v26 =	vor.u32 s19, v10;
	v21 =	vld.idx.msk [tilespmem:v21+s4+$0x0], $0xffff  }
0x24a: {  	v25 =	vor.u32 s19, v9;
	v19 =	vadd.f32 $0.0e+00, v19  }
0x24b: {  	s22 =	simm.s32 $0x100;
	v27 =	vor.u32 s19, v11;
	v22 =	vld.idx.msk [tilespmem:v22+s4+$0x0], $0xffff  }
0x24c: {  	v28 =	vor.u32 s22, v3;
	v23 =	vld.idx.msk [tilespmem:v23+s4+$0x0], $0xffff;
	v19 =	vadd.f32 v20, v19  }
0x24d: {  	v29 =	vor.u32 s19, v12;
	v24 =	vld.idx.msk [tilespmem:v24+s4+$0x0], $0xffff  }
0x24e: {  	v30 =	vor.u32 s19, v13;
	v26 =	vld.idx.msk [tilespmem:v26+s4+$0x0], $0xffff;
	v19 =	vadd.f32 v21, v19  }
0x24f: {  	v20 =	vld.idx.msk [tilespmem:v25+s4+$0x0], $0xffff;
	v25 =	vor.u32 s22, v4  }
0x250: {  	v31 =	vor.u32 s19, v14;
	v27 =	vld.idx.msk [tilespmem:v27+s4+$0x0], $0xffff;
	v19 =	vadd.f32 v22, v19  }
0x251: {  	v28 =	vld.idx.msk [tilespmem:v28+s4+$0x0], $0xffff;
	v21 =	vor.u32 s22, v5  }
0x252: {  	v32 =	vor.u32 s19, v15;
	v29 =	vld.idx.msk [tilespmem:v29+s4+$0x0], $0xffff;
	v19 =	vadd.f32 v23, v19  }
0x253: {  	v30 =	vld.idx.msk [tilespmem:v30+s4+$0x0], $0xffff;
	v22 =	vor.u32 s22, v6  }
0x254: {  	v57 =	vor.u32 s22, v13;
	v25 =	vld.idx.msk [tilespmem:v25+s4+$0x0], $0xffff;
	v19 =	vadd.f32 v24, v19  }
0x255: {  	v31 =	vld.idx.msk [tilespmem:v31+s4+$0x0], $0xffff;
	v23 =	vor.u32 s22, v7  }
0x256: {  	v33 =	vor.u32 s19, v16;
	v21 =	vld.idx.msk [tilespmem:v21+s4+$0x0], $0xffff;
	v19 =	vadd.f32 v20, v19  }
0x257: {  	v32 =	vld.idx.msk [tilespmem:v32+s4+$0x0], $0xffff;
	v24 =	vor.u32 s22, v8;
	v20 =	vadd.f32 $0.0e+00, v28  }
0x258: {  	v34 =	vor.u32 s19, v17;
	v22 =	vld.idx.msk [tilespmem:v22+s4+$0x0], $0xffff;
	v19 =	vadd.f32 v26, v19  }
0x259: {  	v60 =	vld.idx.msk [tilespmem:v57+s4+$0x0], $0xffff;
	v28 =	vor.u32 s22, v9;
	v20 =	vadd.f32 v25, v20  }
0x25a: {  	v35 =	vor.u32 s19, v18;
	v23 =	vld.idx.msk [tilespmem:v23+s4+$0x0], $0xffff;
	v19 =	vadd.f32 v27, v19  }
0x25b: {  	v25 =	vor.u32 s22, v10;
	v26 =	vld.idx.msk [tilespmem:v33+s4+$0x0], $0xffff;
	v20 =	vadd.f32 v21, v20  }
0x25c: {  	s19 =	simm.s32 $0x200;
	v55 =	vor.u32 s22, v11;
	v24 =	vld.idx.msk [tilespmem:v24+s4+$0x0], $0xffff;
	v19 =	vadd.f32 v29, v19  }
0x25d: {  	v21 =	vor.u32 s19, v3;
	v27 =	vld.idx.msk [tilespmem:v34+s4+$0x0], $0xffff;
	v20 =	vadd.f32 v22, v20  }
0x25e: {  	v56 =	vor.u32 s22, v12;
	v28 =	vld.idx.msk [tilespmem:v28+s4+$0x0], $0xffff;
	v19 =	vadd.f32 v30, v19  }
0x25f: {  	v22 =	vor.u32 s19, v4;
	v29 =	vld.idx.msk [tilespmem:v35+s4+$0x0], $0xffff;
	v20 =	vadd.f32 v23, v20  }
0x260: {  	v25 =	vld.idx.msk [tilespmem:v25+s4+$0x0], $0xffff;
	v23 =	vor.u32 s19, v5;
	v19 =	vadd.f32 v31, v19  }
0x261: {  	v58 =	vor.u32 s22, v14;
	v30 =	vld.idx.msk [tilespmem:v55+s4+$0x0], $0xffff;
	v20 =	vadd.f32 v24, v20  }
0x262: {  	v21 =	vld.idx.msk [tilespmem:v21+s4+$0x0], $0xffff;
	v24 =	vor.u32 s19, v6;
	v19 =	vadd.f32 v32, v19  }
0x263: {  	v59 =	vor.u32 s22, v15;
	v31 =	vld.idx.msk [tilespmem:v56+s4+$0x0], $0xffff;
	v20 =	vadd.f32 v28, v20  }
0x264: {  	v61 =	vor.u32 s22, v16;
	v22 =	vld.idx.msk [tilespmem:v22+s4+$0x0], $0xffff;
	v26 =	vadd.f32 v26, v19  }
0x265: {  	v28 =	vor.u32 s19, v7;
	v23 =	vld.idx.msk [tilespmem:v23+s4+$0x0], $0xffff;
	v20 =	vadd.f32 v25, v20  }
0x266: {  	v36 =	vor.u32 s19, v8;
	v19 =	vld.idx.msk [tilespmem:v58+s4+$0x0], $0xffff;
	v26 =	vadd.f32 v27, v26  }
0x267: {  	v62 =	vor.u32 s22, v17;
	v21 =	vadd.f32 $0.0e+00, v21;
	v24 =	vld.idx.msk [tilespmem:v24+s4+$0x0], $0xffff;
	v27 =	vadd.f32 v30, v20  }
0x268: {  	v20 =	vld.idx.msk [tilespmem:v59+s4+$0x0], $0xffff;
	v63 =	vadd.f32 v29, v26;
	v29 =	vor.u32 s19, v9  }
0x269: {  	v22 =	vadd.f32 v22, v21;
	v21 =	vld.idx.msk [tilespmem:v61+s4+$0x0], $0xffff;
	v30 =	vor.u32 s22, v18;
	v37 =	vadd.f32 v31, v27  }
0x26a: {  	v25 =	vld.idx.msk [tilespmem:v28+s4+$0x0], $0xffff;
	v28 =	vor.u32 s19, v10  }
0x26b: {  	s20 =	simm.s32 $0x6000;
	s21 =	simm.s32 $0x300;
	v31 =	vadd.f32 v23, v22;
	v26 =	vld.idx.msk [tilespmem:v36+s4+$0x0], $0xffff;
	v27 =	vor.u32 s19, v11;
	v23 =	vadd.f32 v60, v37  }
0x26c: {  	v32 =	vor.u32 s21, v3;
	s22 =	simm.s32 $0x400;
	v22 =	vld.idx.msk [tilespmem:v62+s4+$0x0], $0xffff;
	[tilespmem:s20+$0x0] =	vst v63  }
.LBB2_16:
0x26d: {  	p0 =	sne.s32 s22, $0x5F00;
	v24 =	vadd.f32 v24, v31;
	v29 =	vld.idx.msk [tilespmem:v29+s4+$0x0], $0xffff;
	v31 =	vor.u32 s19, v12;
	v19 =	vadd.f32 v19, v23  }
0x26e: {  	v23 =	vor.u32 s21, v4;
	v30 =	vld.idx.msk [tilespmem:v30+s4+$0x0], $0xffff  }
0x26f: {  	v24 =	vadd.f32 v25, v24;
	v25 =	vld.idx.msk [tilespmem:v28+s4+$0x0], $0xffff;
	v28 =	vor.u32 s19, v13;
	v19 =	vadd.f32 v20, v19  }
0x270: {  	v20 =	vor.u32 s21, v5;
	v27 =	vld.idx.msk [tilespmem:v27+s4+$0x0], $0xffff  }
0x271: {  	v32 =	vld.idx.msk [tilespmem:v32+s4+$0x0], $0xffff;
	v24 =	vadd.f32 v26, v24;
	v26 =	vor.u32 s19, v14;
	v19 =	vadd.f32 v21, v19  }
0x272: {  	v21 =	vor.u32 s21, v6;
	v31 =	vld.idx.msk [tilespmem:v31+s4+$0x0], $0xffff  }
0x273: {  	v33 =	vor.u32 s19, v15;
	v23 =	vld.idx.msk [tilespmem:v23+s4+$0x0], $0xffff;
	v24 =	vadd.f32 v29, v24;
	v19 =	vadd.f32 v22, v19  }
0x274: {  	v22 =	vor.u32 s21, v7;
	v34 =	vld.idx.msk [tilespmem:v28+s4+$0x0], $0xffff  }
0x275: {  	v36 =	vor.u32 s19, v16;
	v35 =	vld.idx.msk [tilespmem:v20+s4+$0x0], $0xffff;
	v20 =	vadd.f32 v25, v24;
	v25 =	vadd.f32 v30, v19  }
0x276: {  	v37 =	vor.u32 s21, v8;
	s20 =	sadd.s32 $0x10, s20;
	v19 =	vld.idx.msk [tilespmem:v26+s4+$0x0], $0xffff  }
0x277: {  	v38 =	vor.u32 s19, v17;
	v26 =	vadd.f32 $0.0e+00, v32;
	v24 =	vld.idx.msk [tilespmem:v21+s4+$0x0], $0xffff;
	v21 =	vadd.f32 v27, v20;
	[tilespmem:s20+$0x0] =	vst v25  }
.Ltmp7:
0x278: {  	v29 =	vor.u32 s21, v9;
	v20 =	vld.idx.msk [tilespmem:v33+s4+$0x0], $0xffff;
	(pc) =	sbr.rel @p0 .LBB2_16-.Ltmp7, $4  }
0x279: {  	v30 =	vor.u32 s19, v18;
	s19 =	smov.u32 s21;
	s21 =	smov.u32 s22;
	v23 =	vadd.f32 v23, v26;
	v25 =	vld.idx.msk [tilespmem:v22+s4+$0x0], $0xffff;
	v22 =	vadd.f32 v31, v21  }
0x27a: {  	v28 =	vor.u32 s19, v10;
	v21 =	vld.idx.msk [tilespmem:v36+s4+$0x0], $0xffff  }
0x27b: {  	v27 =	vor.u32 s19, v11;
	v31 =	vadd.f32 v35, v23;
	v26 =	vld.idx.msk [tilespmem:v37+s4+$0x0], $0xffff;
	v23 =	vadd.f32 v34, v22  }
0x27c: {  	s22 =	sadd.s32 $0x100, s22;
	v32 =	vor.u32 s21, v3;
	v22 =	vld.idx.msk [tilespmem:v38+s4+$0x0], $0xffff  }
0x27d: {  	_ = 	snop  }
0x27e: {  	v33 =	vor.u32 s21, v4;
	_ =	sdelay $0x1  }
0x27f: {  	v34 =	vor.u32 s21, v5  }
0x280: {  	v32 =	vld.idx.msk [tilespmem:v32+s4+$0x0], $0xffff  }
0x281: {  	v35 =	vor.u32 s21, v6  }
0x282: {  	v33 =	vld.idx.msk [tilespmem:v33+s4+$0x0], $0xffff  }
0x283: {  	v36 =	vor.u32 s21, v7  }
0x284: {  	v34 =	vld.idx.msk [tilespmem:v34+s4+$0x0], $0xffff  }
0x285: {  	v37 =	vor.u32 s21, v8;
	v32 =	vadd.f32 $0.0e+00, v32  }
0x286: {  	v35 =	vld.idx.msk [tilespmem:v35+s4+$0x0], $0xffff  }
0x287: {  	v63 =	vor.u32 s21, v9;
	v32 =	vadd.f32 v33, v32  }
0x288: {  	v36 =	vld.idx.msk [tilespmem:v36+s4+$0x0], $0xffff  }
0x289: {  	v29 =	vld.idx.msk [tilespmem:v29+s4+$0x0], $0xffff;
	v40 =	vor.u32 s21, v10;
	v32 =	vadd.f32 v34, v32  }
0x28a: {  	v24 =	vadd.f32 v24, v31;
	v41 =	vld.idx.msk [tilespmem:v37+s4+$0x0], $0xffff  }
0x28b: {  	v30 =	vld.idx.msk [tilespmem:v30+s4+$0x0], $0xffff;
	v42 =	vor.u32 s21, v11;
	v32 =	vadd.f32 v35, v32  }
0x28c: {  	v43 =	vor.u32 s19, v12;
	v24 =	vadd.f32 v25, v24;
	v33 =	vld.idx.msk [tilespmem:v63+s4+$0x0], $0xffff  }
0x28d: {  	v28 =	vld.idx.msk [tilespmem:v28+s4+$0x0], $0xffff;
	v44 =	vor.u32 s21, v12;
	v32 =	vadd.f32 v36, v32  }
0x28e: {  	v45 =	vor.u32 s19, v13;
	v24 =	vadd.f32 v26, v24;
	v34 =	vld.idx.msk [tilespmem:v40+s4+$0x0], $0xffff  }
0x28f: {  	v27 =	vld.idx.msk [tilespmem:v27+s4+$0x0], $0xffff;
	v46 =	vor.u32 s21, v13;
	v31 =	vadd.f32 v41, v32  }
0x290: {  	v47 =	vor.u32 s19, v14;
	v24 =	vadd.f32 v29, v24;
	v35 =	vld.idx.msk [tilespmem:v42+s4+$0x0], $0xffff  }
0x291: {  	v48 =	vor.u32 s21, v14;
	v25 =	vld.idx.msk [tilespmem:v43+s4+$0x0], $0xffff;
	v31 =	vadd.f32 v33, v31  }
0x292: {  	v49 =	vor.u32 s19, v15;
	v24 =	vadd.f32 v28, v24;
	v36 =	vld.idx.msk [tilespmem:v44+s4+$0x0], $0xffff  }
0x293: {  	v50 =	vor.u32 s21, v15;
	v26 =	vld.idx.msk [tilespmem:v45+s4+$0x0], $0xffff;
	v31 =	vadd.f32 v34, v31  }
0x294: {  	v51 =	vor.u32 s19, v16;
	v24 =	vadd.f32 v27, v24;
	v32 =	vld.idx.msk [tilespmem:v46+s4+$0x0], $0xffff  }
0x295: {  	v52 =	vor.u32 s21, v16;
	v29 =	vld.idx.msk [tilespmem:v47+s4+$0x0], $0xffff;
	v31 =	vadd.f32 v35, v31  }
0x296: {  	v53 =	vor.u32 s19, v17;
	v24 =	vadd.f32 v25, v24;
	v33 =	vld.idx.msk [tilespmem:v48+s4+$0x0], $0xffff  }
0x297: {  	v54 =	vor.u32 s21, v17;
	v28 =	vld.idx.msk [tilespmem:v49+s4+$0x0], $0xffff;
	v31 =	vadd.f32 v36, v31  }
0x298: {  	v55 =	vor.u32 s19, v18;
	v24 =	vadd.f32 v26, v24;
	v34 =	vld.idx.msk [tilespmem:v50+s4+$0x0], $0xffff  }
0x299: {  	v19 =	vadd.f32 v19, v23;
	v58 =	vor.u32 s21, v18;
	v56 =	vld.idx.msk [tilespmem:v51+s4+$0x0], $0xffff;
	v57 =	vadd.f32 v32, v31  }
0x29a: {  	v59 =	vld.idx.msk [tilespmem:v52+s4+$0x0], $0xffff;
	v24 =	vadd.f32 v29, v24  }
0x29b: {  	v19 =	vadd.f32 v20, v19;
	v25 =	vld.idx.msk [tilespmem:v53+s4+$0x0], $0xffff;
	v20 =	vadd.f32 v33, v57  }
0x29c: {  	v60 =	vld.idx.msk [tilespmem:v54+s4+$0x0], $0xffff;
	v24 =	vadd.f32 v28, v24  }
0x29d: {  	v19 =	vadd.f32 v21, v19;
	v61 =	vld.idx.msk [tilespmem:v55+s4+$0x0], $0xffff;
	v20 =	vadd.f32 v34, v20  }
0x29e: {  	v62 =	vld.idx.msk [tilespmem:v58+s4+$0x0], $0xffff;
	v23 =	vadd.f32 v56, v24  }
0x29f: {  	v19 =	vadd.f32 v22, v19;
	v20 =	vadd.f32 v59, v20  }
0x2a0: {  	v63 =	vadd.f32 v25, v23  }
0x2a1: {  	v19 =	vadd.f32 v30, v19;
	v20 =	vadd.f32 v60, v20  }
0x2a2: {  	s31 =	sadd.s32 $0x10, s20;
	v21 =	vadd.f32 v61, v63  }
0x2a3: {  	s18 =	sadd.s32 $0x1, s18;
	s19 =	sadd.s32 $0x10, s31;
	[tilespmem:s31+$0x0] =	vst v19;
	v19 =	vadd.f32 v62, v20  }
0x2a4: {  	p0 =	sne.s32 s18, s9;
	[tilespmem:s19+$0x0] =	vst v21;
	s19 =	sadd.s32 $0x10, s19  }
.Ltmp8:
0x2a5: {  	[tilespmem:s19+$0x0] =	vst v19;
	(pc) =	sbr.rel @p0 .LBB2_1-.Ltmp8, $4  }
0x2a6: {  	[hbm4b:s8+s14] =	stream.strided.scatter [tilespmem:s16], [sflag:$0x3], $0x600, s15, s14, $0x38;
	[tilespmem:$0x16600] =	vst v63  }
0x2a7: {  	_ =	swait.ge [sflag:s17], $0x600  }
0x2a8: {  	[sflag:s17] =	ssyncset.done $0x0  }
0x2a9: {  	[sflag:s17] =	ssyncadd.s32 $0xFFFFFA00  }
0x2aa: {  	_ =	sfence.sel $0x180000  }
0x2ab: {  	[bflag:$0x0] =	sbarrier.arrive $0xFFFF  }
0x2ac: {  	p0 =	sne.s32 s1, $0x0;
	_ =	strace $0x90000047  }
0x2ad: {  	s0 =	sadd.s32 @!p0 $0x100000, s3;
	[bflag:$0x2] =	sbarrier.arrive $0xFFFF  }
0x2ae: {  	[sflag:s0] =	ssyncadd.tile.s32 @!p0 $0x1;
	_ =	shalt  }
.Lfunc_end2:
_tile_overlayer_lowered:
.L_overlay_start_2:
0x2af: {  	(tag) =	ssettag $0x2  }
0x2b0: {  	s0 =	rddreg [dreg:$0x0];
	s2 =	stileid.u32  }
0x2b1: {  	s1 =	rddreg [dreg:$0x1];
	p0 =	sne.s32 s2, $0x0  }
0x2b2: {  	s3 =	rddreg [dreg:$0x2];
	[bflag:$0x3] =	sbarrier.arrive $0xFFFF;
	s2 =	simm.s32 @!p0 $0x1C03  }
0x2b3: {  	[timem:s3], [sflag:s2] =	dma.local @!p0 [hbm:s0], s1  }
0x2b4: {  	s0 =	simm.s32 @!p0 $0x3  }
0x2b5: {  	_ =	swait.ge @!p0 [sflag:s0], s1  }
0x2b6: {  	s1 =	ssub.s32 @!p0 $0x0, s1;
	[sflag:s0] =	ssyncset.done @!p0 $0x0  }
0x2b7: {  	[sflag:s0] =	ssyncadd.s32 @!p0 s1  }
0x2b8: {  	[bflag:$0x3] =	sbarrier.arrive $0xFFFF  }
0x2b9: {  	_ =	shalt  }

</sc_bundles>
